<compile_context>
chip_gen: v7x
topology: tpu7x:2x2x1
jax: 0.10.2.dev20260603
libtpu: 0.0.44.dev20260713+nightly
codegen_flags: <defaults>
</compile_context>

<pallas_src>
import functools

import jax
import jax.numpy as jnp
import numpy as np
from jax import lax
from jax.experimental import pallas as pl
from jax.experimental.pallas import tpu as pltpu
from jax.experimental.pallas import tpu_sc as plsc
from jax._src.pallas import mpmd as _plmpmd

N_REF = 8192
N_QUERY = 2048
RADIUS2 = 0.25

BM = 256
NW = 32
ROWS_PER_W = N_QUERY // NW
WORDS_PER_ROW = N_REF // 32
GROUPS = WORDS_PER_ROW // 16


def _mask_kernel(q_ref, r_ref, rsqt_ref, mask_ref, packed_ref, cnt_ref):
    q = q_ref[...]
    r = r_ref[...]
    dot = lax.dot_general(q, r, (((1,), (1,)), ((), ())),
                          precision=lax.Precision.DEFAULT)
    q_sq = jnp.sum(q * q, axis=1, keepdims=True)
    dist2 = q_sq + rsqt_ref[...] - 2.0 * dot
    mask = dist2 <= RADIUS2
    mask_ref[...] = mask
    mf = jnp.where(mask, 1.0, 0.0)
    ones_col = jnp.ones((N_REF, 1), jnp.float32)
    counts = lax.dot_general(mf, ones_col, (((1,), (0,)), ((), ())),
                             precision=lax.Precision.DEFAULT)
    cnt_ref[...] = jnp.broadcast_to(counts.astype(jnp.int32), (BM, 16))
    acc = jnp.where(mask[:, 0:WORDS_PER_ROW], jnp.int32(1), jnp.int32(0))
    for s in range(1, 32):
        bit = jnp.int32(np.uint32(1 << s).view(np.int32))
        acc = acc + jnp.where(
            mask[:, s * WORDS_PER_ROW:(s + 1) * WORDS_PER_ROW],
            bit, jnp.int32(0))
    packed_ref[...] = acc


def _offsets_kernel(cnt_ref, out_ref):
    cnt = cnt_ref[...].astype(jnp.float32)
    k = lax.broadcasted_iota(jnp.int32, (128, 128), 0)
    l = lax.broadcasted_iota(jnp.int32, (128, 128), 1)
    tri = (k <= l).astype(jnp.float32)
    incl = jnp.dot(cnt, tri, precision=lax.Precision.HIGHEST)
    i = lax.broadcasted_iota(jnp.int32, (16, 16), 0)
    j = lax.broadcasted_iota(jnp.int32, (16, 16), 1)
    strict = (j < i).astype(jnp.float32)
    row_tot = incl[:, 127:128]
    row_off = jnp.dot(strict, row_tot, precision=lax.Precision.HIGHEST)
    excl = row_off + incl - cnt
    out_ref[0:16, :] = excl.astype(jnp.int32)
    total = row_off[15:16, 0:1] + incl[15:16, 127:128]
    out_ref[16:17, :] = jnp.broadcast_to(total, (1, 128)).astype(jnp.int32)


def _sc_half_body(row0, rows_per_w, packed_hbm, cnt_hbm, out_hbm, mbits, cvm,
                  rowbuf_a, rowbuf_b, ssem_a, ssem_b):
    info = plsc.get_sparse_core_info()
    nc = info.num_cores
    wid = lax.axis_index("s") * nc + lax.axis_index("c")
    half_base = wid * rows_per_w
    base_row = row0 + half_base
    lanes = lax.iota(jnp.int32, 16)
    ones16 = jnp.ones((16,), jnp.int32)

    pltpu.sync_copy(packed_hbm.at[pl.ds(half_base, rows_per_w), :], mbits)
    pltpu.sync_copy(cnt_hbm.at[pl.ds(half_base, rows_per_w), :], cvm)

    def step(r, row, rowbuf, ssem):
        @pl.when(r >= 2)
        def _():
            pltpu.make_async_copy(rowbuf, out_hbm.at[row - 2], ssem).wait()

        cntv = cvm[r, pl.ds(0, 16)]

        @plsc.parallel_loop(0, N_REF // 16, 1, unroll=8,
                            carry=(lanes, -ones16, cntv + lanes))
        def body(c, carry_in):
            jv, trunm1, cj = carry_in
            g = c & (GROUPS - 1)
            s = c >> 4
            w = mbits[r, pl.ds(g * 16, 16)]
            m01 = (w >> s) & 1
            mb = m01 > 0
            incl = plsc.cumsum(m01)
            pos = jnp.where(mb, trunm1 + incl, cj - incl)
            plsc.store_scatter(rowbuf, [pos], jv)
            pc = plsc.all_reduce_population_count(mb)
            return jv + 16, trunm1 + pc, cj + (16 - pc)

        pltpu.async_copy(rowbuf, out_hbm.at[row], ssem)

    def do_row(r, carry):
        row = base_row + r

        @pl.when((r & 1) == 0)
        def _():
            step(r, row, rowbuf_a, ssem_a)

        @pl.when((r & 1) == 1)
        def _():
            step(r, row, rowbuf_b, ssem_b)

        return carry

    lax.fori_loop(0, rows_per_w, do_row, 0)

    pltpu.make_async_copy(
        rowbuf_a, out_hbm.at[base_row + rows_per_w - 2], ssem_a).wait()
    pltpu.make_async_copy(
        rowbuf_b, out_hbm.at[base_row + rows_per_w - 1], ssem_b).wait()


def _sc_body_first(packed_hbm, cnt_hbm, out_hbm, *scratch):
    _sc_half_body(0, (N_QUERY // 2) // NW, packed_hbm, cnt_hbm, out_hbm,
                  *scratch)


def _sc_body_second(packed_hbm, cnt_hbm, prev_hbm, out_hbm, *scratch):
    del prev_hbm
    _sc_half_body(N_QUERY // 2, (N_QUERY // 2) // NW, packed_hbm, cnt_hbm,
                  out_hbm, *scratch)


@functools.partial(jax.jit, static_argnums=())
def kernel(ref_positions, query_positions):
    rsqt = jnp.sum(ref_positions * ref_positions, axis=1, keepdims=True).T

    half = N_QUERY // 2

    def mask_call(q_half):
        return pl.pallas_call(
            _mask_kernel,
            grid=(half // BM,),
            in_specs=[
                pl.BlockSpec((BM, 3), lambda i: (i, 0)),
                pl.BlockSpec((N_REF, 3), lambda i: (0, 0)),
                pl.BlockSpec((1, N_REF), lambda i: (0, 0)),
            ],
            out_specs=[
                pl.BlockSpec((BM, N_REF), lambda i: (i, 0)),
                pl.BlockSpec((BM, WORDS_PER_ROW), lambda i: (i, 0)),
                pl.BlockSpec((BM, 16), lambda i: (i, 0)),
            ],
            out_shape=[
                jax.ShapeDtypeStruct((half, N_REF), jnp.bool_),
                jax.ShapeDtypeStruct((half, WORDS_PER_ROW), jnp.int32),
                jax.ShapeDtypeStruct((half, 16), jnp.int32),
            ],
        )(q_half, ref_positions, rsqt)

    mask_a, packed_a, cnt_a = mask_call(query_positions[:half])
    mask_b, packed_b, cnt_b = mask_call(query_positions[half:])

    mesh = plsc.VectorSubcoreMesh(core_axis_name="c", subcore_axis_name="s")
    sc_params = pltpu.CompilerParams(needs_layout_passes=False)
    rows_half_w = half // NW
    sc_scratch = [
        pltpu.VMEM((rows_half_w, WORDS_PER_ROW), jnp.int32),
        pltpu.VMEM((rows_half_w, 16), jnp.int32),
        pltpu.VMEM((N_REF,), jnp.int32),
        pltpu.VMEM((N_REF,), jnp.int32),
        pltpu.SemaphoreType.DMA,
        pltpu.SemaphoreType.DMA,
    ]
    out_t = jax.ShapeDtypeStruct((N_QUERY, N_REF), jnp.int32)

    partial_out = pl.kernel(
        _sc_body_first,
        out_type=out_t,
        mesh=mesh,
        compiler_params=sc_params,
        scratch_types=sc_scratch,
    )(packed_a, cnt_a)

    neighbor_index = _plmpmd._mpmd_map(
        [(mesh, _sc_body_second)],
        out_t,
        input_output_aliases={2: 0},
        scratch_types=sc_scratch,
        compiler_params=sc_params,
    )(packed_b, cnt_b, partial_out)

    counts = jnp.concatenate([cnt_a[:, 0], cnt_b[:, 0]])

    offsets_2d = pl.pallas_call(
        _offsets_kernel,
        out_shape=jax.ShapeDtypeStruct((17, 128), jnp.int32),
    )(counts.reshape(16, 128))
    offsets = offsets_2d.reshape(-1)[: N_QUERY + 1]

    mask = jnp.concatenate([mask_a, mask_b], axis=0)

    return neighbor_index, counts, offsets, mask

# --- scband reference (transcript-rebuilt; emitter-appended) ---
"""Pipeline reference for scband-neighbor-radius-search-layer-90357521973573 (READ-ONLY COPY).

The authoritative reference and input builder live on the scoring server;
editing this copy changes nothing except your own understanding.
"""

import jax, jax.numpy as jnp
import numpy as np

RADIUS = 0.5


def setup_inputs(seed: int = 0) -> dict:
    key = jax.random.key(seed)
    k1, k2 = jax.random.split(key)
    ref_positions = jax.random.normal(k1, (8192, 3), dtype=jnp.float32)
    query_positions = jax.random.normal(k2, (2048, 3), dtype=jnp.float32)
    return {"ref_positions": ref_positions, "query_positions": query_positions}


def reference(ref_positions, query_positions):
    # neighbor_radius_search: for each query point, find all ref points within RADIUS.
    r2 = RADIUS * RADIUS
    q_sq = jnp.sum(query_positions * query_positions, axis=1, keepdims=True)  # [M,1]
    r_sq = jnp.sum(ref_positions * ref_positions, axis=1, keepdims=True)      # [N,1]
    dist2 = q_sq + r_sq.T - 2.0 * (query_positions @ ref_positions.T)          # [M,N]
    dist2 = jnp.maximum(dist2, 0.0)
    mask = dist2 <= r2                                                         # [M,N] bool
    counts = jnp.sum(mask, axis=1).astype(jnp.int32)                           # [M]
    offsets = jnp.concatenate(
        [jnp.zeros((1,), dtype=jnp.int32), jnp.cumsum(counts).astype(jnp.int32)]
    )                                                                          # [M+1] CSR offsets
    # Fixed-shape CSR-like neighbor indices: stable argsort puts in-radius
    # ref indices first in each row; first counts[i] entries of row i are the
    # neighbor indices of query i.
    neighbor_index = jnp.argsort(~mask, axis=1, stable=True).astype(jnp.int32)  # [M,N]
    return neighbor_index, counts, offsets, mask

if __name__ == "__main__":
    import jax
    _d = setup_inputs()
    print(jax.jit(kernel)(*tuple(_d.values())))

</pallas_src>

<mosaic_0001>
#map = affine_map<(d0, d1) -> (0, 0)>
module attributes {stable_mosaic.version = 14 : i64} {
  func.func @_sc_body_first(%arg0: i32, %arg1: i32, %arg2: memref<1024x256xi32, #tpu.memory_space<hbm>>, %arg3: memref<1024x16xi32, #tpu.memory_space<hbm>>, %arg4: memref<2048x8192xi32, #tpu.memory_space<hbm>>, %arg5: memref<32x256xi32, #tpu.memory_space<vmem>>, %arg6: memref<32x16xi32, #tpu.memory_space<vmem>>, %arg7: memref<8192xi32, #tpu.memory_space<vmem>>, %arg8: memref<8192xi32, #tpu.memory_space<vmem>>, %arg9: memref<!tpu.dma_semaphore, #tpu.memory_space<semaphore_mem>>, %arg10: memref<!tpu.dma_semaphore, #tpu.memory_space<semaphore_mem>>) attributes {dimension_semantics = [#tpu.dimension_semantics<core_parallel>, #tpu.dimension_semantics<subcore_parallel>], iteration_bounds = array<i64: 2, 16>, scalar_prefetch = 0 : i64, scratch_operands = 6 : i64, tpu.core_type = #tpu.core_type<sc_vector_subcore>, window_params = [{transform_indices = #map}, {transform_indices = #map}, {transform_indices = #map}]} {
    %mul3A = arith.constant 2 : i32
    %mul3A_0 = arith.muli %arg1, %mul3A : i32
    %add3A = arith.addi %mul3A_0, %arg0 : i32
    %mul3A_1 = arith.constant 32 : i32
    %mul3A_2 = arith.muli %add3A, %mul3A_1 : i32
    %add3A_3 = arith.constant 0 : i32
    %add3A_4 = arith.addi %add3A_3, %mul3A_2 : i32
    %iota3A = tpu.iota {dimensions = array<i32: 0>} : vector<16xi32>
    %broadcast_in_dim3A = arith.constant 1 : i32
    %broadcast_in_dim3A_5 = vector.broadcast %broadcast_in_dim3A : i32 to vector<16xi32>
    "tpu.region"() ({
      %run_scoped3A = tpu.sem_alloc : memref<!tpu.dma_semaphore, #tpu.memory_space<semaphore_mem>>
      %dma_start3A = arith.constant 0 : i32
      %dma_start3A_29 = tpu.memref_slice %arg2[%mul3A_2, %dma_start3A] : memref<1024x256xi32, #tpu.memory_space<hbm>> -> memref<32x256xi32, #tpu.memory_space<hbm>>
      %dma_start3A_30 = arith.constant 0 : i32
      %dma_start3A_31 = tpu.memref_slice %arg2[%mul3A_2, %dma_start3A_30] : memref<1024x256xi32, #tpu.memory_space<hbm>> -> memref<32x256xi32, #tpu.memory_space<hbm>>
      tpu.enqueue_dma source(%dma_start3A_31 : memref<32x256xi32, #tpu.memory_space<hbm>>) target(%arg5 : memref<32x256xi32, #tpu.memory_space<vmem>>) target_semaphore(%run_scoped3A : memref<!tpu.dma_semaphore, #tpu.memory_space<semaphore_mem>>)
      %dma_wait3A_32 = arith.constant 0 : i32
      %dma_wait3A_33 = tpu.memref_slice %arg2[%mul3A_2, %dma_wait3A_32] : memref<1024x256xi32, #tpu.memory_space<hbm>> -> memref<32x256xi32, #tpu.memory_space<hbm>>
      %dma_wait3A_34 = arith.constant 0 : i32
      %dma_wait3A_35 = tpu.memref_slice %arg2[%mul3A_2, %dma_wait3A_34] : memref<1024x256xi32, #tpu.memory_space<hbm>> -> memref<32x256xi32, #tpu.memory_space<hbm>>
      tpu.wait_dma2 semaphore(%run_scoped3A : memref<!tpu.dma_semaphore, #tpu.memory_space<semaphore_mem>>) src(%dma_wait3A_35 : memref<32x256xi32, #tpu.memory_space<hbm>>) dst(%arg5 : memref<32x256xi32, #tpu.memory_space<vmem>>)
      tpu.yield
    }) : () -> ()
    "tpu.region"() ({
      %run_scoped3A = tpu.sem_alloc : memref<!tpu.dma_semaphore, #tpu.memory_space<semaphore_mem>>
      %dma_start3A = arith.constant 0 : i32
      %dma_start3A_29 = tpu.memref_slice %arg3[%mul3A_2, %dma_start3A] : memref<1024x16xi32, #tpu.memory_space<hbm>> -> memref<32x16xi32, #tpu.memory_space<hbm>>
      %dma_start3A_30 = arith.constant 0 : i32
      %dma_start3A_31 = tpu.memref_slice %arg3[%mul3A_2, %dma_start3A_30] : memref<1024x16xi32, #tpu.memory_space<hbm>> -> memref<32x16xi32, #tpu.memory_space<hbm>>
      tpu.enqueue_dma source(%dma_start3A_31 : memref<32x16xi32, #tpu.memory_space<hbm>>) target(%arg6 : memref<32x16xi32, #tpu.memory_space<vmem>>) target_semaphore(%run_scoped3A : memref<!tpu.dma_semaphore, #tpu.memory_space<semaphore_mem>>)
      %dma_wait3A_32 = arith.constant 0 : i32
      %dma_wait3A_33 = tpu.memref_slice %arg3[%mul3A_2, %dma_wait3A_32] : memref<1024x16xi32, #tpu.memory_space<hbm>> -> memref<32x16xi32, #tpu.memory_space<hbm>>
      %dma_wait3A_34 = arith.constant 0 : i32
      %dma_wait3A_35 = tpu.memref_slice %arg3[%mul3A_2, %dma_wait3A_34] : memref<1024x16xi32, #tpu.memory_space<hbm>> -> memref<32x16xi32, #tpu.memory_space<hbm>>
      tpu.wait_dma2 semaphore(%run_scoped3A : memref<!tpu.dma_semaphore, #tpu.memory_space<semaphore_mem>>) src(%dma_wait3A_35 : memref<32x16xi32, #tpu.memory_space<hbm>>) dst(%arg6 : memref<32x16xi32, #tpu.memory_space<vmem>>)
      tpu.yield
    }) : () -> ()
    %scan3A = arith.constant 0 : i32
    %scan3A_6 = arith.constant 0 : i32
    %scan3A_7 = arith.constant 32 : i32
    %scan3A_8 = arith.addi %scan3A_6, %scan3A_7 : i32
    %scan3A_9 = arith.constant 1 : i32
    scf.for %scan3A_29 = %scan3A_6 to %scan3A_8 step %scan3A_9  : i32 {
      %add3A_30 = arith.addi %add3A_4, %scan3A_29 : i32
      %and3A = arith.constant 1 : i32
      %and3A_31 = arith.andi %scan3A_29, %and3A : i32
      %eq3A = arith.constant 0 : i32
      %eq3A_32 = arith.cmpi eq, %and3A_31, %eq3A : i32
      %convert_element_type3A = arith.extui %eq3A_32 : i1 to i32
      %cond3A = arith.constant 0 : i32
      %cond3A_33 = arith.cmpi ne, %convert_element_type3A, %cond3A : i32
      scf.if %cond3A_33 {
        %ge3A = arith.constant 2 : i32
        %ge3A_41 = arith.cmpi sge, %scan3A_29, %ge3A : i32
        %convert_element_type3A_42 = arith.extui %ge3A_41 : i1 to i32
        %cond3A_43 = arith.constant 0 : i32
        %cond3A_44 = arith.cmpi ne, %convert_element_type3A_42, %cond3A_43 : i32
        scf.if %cond3A_44 {
          %sub3A_58 = arith.constant 2 : i32
          %sub3A_59 = arith.subi %add3A_30, %sub3A_58 : i32
          %dma_wait3A_60 = arith.constant 0 : i32
          %dma_wait3A_61 = tpu.memref_slice %arg4[%sub3A_59, %dma_wait3A_60] : memref<2048x8192xi32, #tpu.memory_space<hbm>> -> memref<1x8192xi32, #tpu.memory_space<hbm>>
          %dma_wait3A_62 = tpu.memref_squeeze %dma_wait3A_61 : memref<1x8192xi32, #tpu.memory_space<hbm>> -> memref<8192xi32, #tpu.memory_space<hbm>>
          %dma_wait3A_63 = arith.constant 0 : i32
          %dma_wait3A_64 = tpu.memref_slice %arg4[%sub3A_59, %dma_wait3A_63] : memref<2048x8192xi32, #tpu.memory_space<hbm>> -> memref<1x8192xi32, #tpu.memory_space<hbm>>
          %dma_wait3A_65 = tpu.memref_squeeze %dma_wait3A_64 : memref<1x8192xi32, #tpu.memory_space<hbm>> -> memref<8192xi32, #tpu.memory_space<hbm>>
          tpu.wait_dma2 semaphore(%arg9 : memref<!tpu.dma_semaphore, #tpu.memory_space<semaphore_mem>>) src(%arg7 : memref<8192xi32, #tpu.memory_space<vmem>>) dst(%dma_wait3A_65 : memref<8192xi32, #tpu.memory_space<hbm>>)
        } else {
        }
        %get3A = arith.index_cast %scan3A_29 : i32 to index
        %get3A_45 = arith.constant 0 : index
        %get3A_46 = tpu.vector_load %arg6[%get3A, %get3A_45] {strides = array<i32>} : memref<32x16xi32, #tpu.memory_space<vmem>>, vector<16xi32>,
        %neg3A = arith.constant 0 : i32
        %neg3A_47 = vector.broadcast %neg3A : i32 to vector<16xi32>
        %neg3A_48 = arith.subi %neg3A_47, %broadcast_in_dim3A_5 : vector<16xi32>
        %add3A_49 = arith.addi %get3A_46, %iota3A : vector<16xi32>
        %parallel_loop3A = arith.constant 0 : i32
        %parallel_loop3A_50 = arith.constant 512 : i32
        %parallel_loop3A_51 = arith.constant 1 : i32
        %parallel_loop3A_52:3 = scf.for %parallel_loop3A_58 = %parallel_loop3A to %parallel_loop3A_50 step %parallel_loop3A_51 iter_args(%parallel_loop3A_59 = %iota3A, %parallel_loop3A_60 = %neg3A_48, %parallel_loop3A_61 = %add3A_49) -> (vector<16xi32>, vector<16xi32>, vector<16xi32>)  : i32 {
          %parallel_loop3A_62 = arith.constant 15 : i32
          %parallel_loop3A_63 = arith.andi %parallel_loop3A_58, %parallel_loop3A_62 : i32
          %parallel_loop3A_64 = arith.constant 4 : i32
          %parallel_loop3A_65 = arith.shrsi %parallel_loop3A_58, %parallel_loop3A_64 : i32
          %parallel_loop3A_66 = arith.constant 16 : i32
          %parallel_loop3A_67 = arith.muli %parallel_loop3A_63, %parallel_loop3A_66 : i32
          %parallel_loop3A_68 = arith.index_cast %scan3A_29 : i32 to index
          %parallel_loop3A_69 = arith.index_cast %parallel_loop3A_67 : i32 to index
          %parallel_loop3A_70 = tpu.vector_load %arg5[%parallel_loop3A_68, %parallel_loop3A_69] {strides = array<i32>} : memref<32x256xi32, #tpu.memory_space<vmem>>, vector<16xi32>,
          %parallel_loop3A_71 = vector.broadcast %parallel_loop3A_65 : i32 to vector<16xi32>
          %parallel_loop3A_72 = arith.shrsi %parallel_loop3A_70, %parallel_loop3A_71 : vector<16xi32>
          %parallel_loop3A_73 = arith.constant 1 : i32
          %parallel_loop3A_74 = vector.broadcast %parallel_loop3A_73 : i32 to vector<16xi32>
          %parallel_loop3A_75 = arith.andi %parallel_loop3A_72, %parallel_loop3A_74 : vector<16xi32>
          %parallel_loop3A_76 = arith.constant 0 : i32
          %parallel_loop3A_77 = vector.broadcast %parallel_loop3A_76 : i32 to vector<16xi32>
          %parallel_loop3A_78 = arith.cmpi sgt, %parallel_loop3A_75, %parallel_loop3A_77 : vector<16xi32>
          %parallel_loop3A_79 = arith.constant true
          %parallel_loop3A_80 = vector.broadcast %parallel_loop3A_79 : i1 to vector<16xi1>
          %parallel_loop3A_81 = tpu.scan <sum>, %parallel_loop3A_75 masked %parallel_loop3A_80 : vector<16xi32>, vector<16xi1> -> vector<16xi32>
          %parallel_loop3A_82 = arith.addi %parallel_loop3A_60, %parallel_loop3A_81 : vector<16xi32>
          %parallel_loop3A_83 = arith.subi %parallel_loop3A_61, %parallel_loop3A_81 : vector<16xi32>
          %parallel_loop3A_84 = arith.select %parallel_loop3A_78, %parallel_loop3A_82, %parallel_loop3A_83 : vector<16xi1>, vector<16xi32>
          tpu.vector_store_idx %arg7[%parallel_loop3A_84], %parallel_loop3A_59 : memref<8192xi32, #tpu.memory_space<vmem>>[vector<16xi32>], vector<16xi32>,
          %parallel_loop3A_85 = tpu.all_reduce %parallel_loop3A_78 {dim = 0 : i64, kind = #tpu.reduction_kind<sum>} : vector<16xi1> -> vector<16xi32>
          %parallel_loop3A_86 = arith.constant 16 : i32
          %parallel_loop3A_87 = vector.broadcast %parallel_loop3A_86 : i32 to vector<16xi32>
          %parallel_loop3A_88 = arith.addi %parallel_loop3A_59, %parallel_loop3A_87 : vector<16xi32>
          %parallel_loop3A_89 = arith.addi %parallel_loop3A_60, %parallel_loop3A_85 : vector<16xi32>
          %parallel_loop3A_90 = arith.constant 16 : i32
          %parallel_loop3A_91 = vector.broadcast %parallel_loop3A_90 : i32 to vector<16xi32>
          %parallel_loop3A_92 = arith.subi %parallel_loop3A_91, %parallel_loop3A_85 : vector<16xi32>
          %parallel_loop3A_93 = arith.addi %parallel_loop3A_61, %parallel_loop3A_92 : vector<16xi32>
          scf.yield %parallel_loop3A_88, %parallel_loop3A_89, %parallel_loop3A_93 : vector<16xi32>, vector<16xi32>, vector<16xi32>
        } {sc.loop_unroll_factor = 8 : i64, sc.parallel_access}
        %dma_start3A = arith.constant 0 : i32
        %dma_start3A_53 = tpu.memref_slice %arg4[%add3A_30, %dma_start3A] : memref<2048x8192xi32, #tpu.memory_space<hbm>> -> memref<1x8192xi32, #tpu.memory_space<hbm>>
        %dma_start3A_54 = tpu.memref_squeeze %dma_start3A_53 : memref<1x8192xi32, #tpu.memory_space<hbm>> -> memref<8192xi32, #tpu.memory_space<hbm>>
        %dma_start3A_55 = arith.constant 0 : i32
        %dma_start3A_56 = tpu.memref_slice %arg4[%add3A_30, %dma_start3A_55] : memref<2048x8192xi32, #tpu.memory_space<hbm>> -> memref<1x8192xi32, #tpu.memory_space<hbm>>
        %dma_start3A_57 = tpu.memref_squeeze %dma_start3A_56 : memref<1x8192xi32, #tpu.memory_space<hbm>> -> memref<8192xi32, #tpu.memory_space<hbm>>
        tpu.enqueue_dma source(%arg7 : memref<8192xi32, #tpu.memory_space<vmem>>) target(%dma_start3A_57 : memref<8192xi32, #tpu.memory_space<hbm>>) target_semaphore(%arg9 : memref<!tpu.dma_semaphore, #tpu.memory_space<semaphore_mem>>)
      } else {
      }
      %and3A_34 = arith.constant 1 : i32
      %and3A_35 = arith.andi %scan3A_29, %and3A_34 : i32
      %eq3A_36 = arith.constant 1 : i32
      %eq3A_37 = arith.cmpi eq, %and3A_35, %eq3A_36 : i32
      %convert_element_type3A_38 = arith.extui %eq3A_37 : i1 to i32
      %cond3A_39 = arith.constant 0 : i32
      %cond3A_40 = arith.cmpi ne, %convert_element_type3A_38, %cond3A_39 : i32
      scf.if %cond3A_40 {
        %ge3A = arith.constant 2 : i32
        %ge3A_41 = arith.cmpi sge, %scan3A_29, %ge3A : i32
        %convert_element_type3A_42 = arith.extui %ge3A_41 : i1 to i32
        %cond3A_43 = arith.constant 0 : i32
        %cond3A_44 = arith.cmpi ne, %convert_element_type3A_42, %cond3A_43 : i32
        scf.if %cond3A_44 {
          %sub3A_58 = arith.constant 2 : i32
          %sub3A_59 = arith.subi %add3A_30, %sub3A_58 : i32
          %dma_wait3A_60 = arith.constant 0 : i32
          %dma_wait3A_61 = tpu.memref_slice %arg4[%sub3A_59, %dma_wait3A_60] : memref<2048x8192xi32, #tpu.memory_space<hbm>> -> memref<1x8192xi32, #tpu.memory_space<hbm>>
          %dma_wait3A_62 = tpu.memref_squeeze %dma_wait3A_61 : memref<1x8192xi32, #tpu.memory_space<hbm>> -> memref<8192xi32, #tpu.memory_space<hbm>>
          %dma_wait3A_63 = arith.constant 0 : i32
          %dma_wait3A_64 = tpu.memref_slice %arg4[%sub3A_59, %dma_wait3A_63] : memref<2048x8192xi32, #tpu.memory_space<hbm>> -> memref<1x8192xi32, #tpu.memory_space<hbm>>
          %dma_wait3A_65 = tpu.memref_squeeze %dma_wait3A_64 : memref<1x8192xi32, #tpu.memory_space<hbm>> -> memref<8192xi32, #tpu.memory_space<hbm>>
          tpu.wait_dma2 semaphore(%arg10 : memref<!tpu.dma_semaphore, #tpu.memory_space<semaphore_mem>>) src(%arg8 : memref<8192xi32, #tpu.memory_space<vmem>>) dst(%dma_wait3A_65 : memref<8192xi32, #tpu.memory_space<hbm>>)
        } else {
        }
        %get3A = arith.index_cast %scan3A_29 : i32 to index
        %get3A_45 = arith.constant 0 : index
        %get3A_46 = tpu.vector_load %arg6[%get3A, %get3A_45] {strides = array<i32>} : memref<32x16xi32, #tpu.memory_space<vmem>>, vector<16xi32>,
        %neg3A = arith.constant 0 : i32
        %neg3A_47 = vector.broadcast %neg3A : i32 to vector<16xi32>
        %neg3A_48 = arith.subi %neg3A_47, %broadcast_in_dim3A_5 : vector<16xi32>
        %add3A_49 = arith.addi %get3A_46, %iota3A : vector<16xi32>
        %parallel_loop3A = arith.constant 0 : i32
        %parallel_loop3A_50 = arith.constant 512 : i32
        %parallel_loop3A_51 = arith.constant 1 : i32
        %parallel_loop3A_52:3 = scf.for %parallel_loop3A_58 = %parallel_loop3A to %parallel_loop3A_50 step %parallel_loop3A_51 iter_args(%parallel_loop3A_59 = %iota3A, %parallel_loop3A_60 = %neg3A_48, %parallel_loop3A_61 = %add3A_49) -> (vector<16xi32>, vector<16xi32>, vector<16xi32>)  : i32 {
          %parallel_loop3A_62 = arith.constant 15 : i32
          %parallel_loop3A_63 = arith.andi %parallel_loop3A_58, %parallel_loop3A_62 : i32
          %parallel_loop3A_64 = arith.constant 4 : i32
          %parallel_loop3A_65 = arith.shrsi %parallel_loop3A_58, %parallel_loop3A_64 : i32
          %parallel_loop3A_66 = arith.constant 16 : i32
          %parallel_loop3A_67 = arith.muli %parallel_loop3A_63, %parallel_loop3A_66 : i32
          %parallel_loop3A_68 = arith.index_cast %scan3A_29 : i32 to index
          %parallel_loop3A_69 = arith.index_cast %parallel_loop3A_67 : i32 to index
          %parallel_loop3A_70 = tpu.vector_load %arg5[%parallel_loop3A_68, %parallel_loop3A_69] {strides = array<i32>} : memref<32x256xi32, #tpu.memory_space<vmem>>, vector<16xi32>,
          %parallel_loop3A_71 = vector.broadcast %parallel_loop3A_65 : i32 to vector<16xi32>
          %parallel_loop3A_72 = arith.shrsi %parallel_loop3A_70, %parallel_loop3A_71 : vector<16xi32>
          %parallel_loop3A_73 = arith.constant 1 : i32
          %parallel_loop3A_74 = vector.broadcast %parallel_loop3A_73 : i32 to vector<16xi32>
          %parallel_loop3A_75 = arith.andi %parallel_loop3A_72, %parallel_loop3A_74 : vector<16xi32>
          %parallel_loop3A_76 = arith.constant 0 : i32
          %parallel_loop3A_77 = vector.broadcast %parallel_loop3A_76 : i32 to vector<16xi32>
          %parallel_loop3A_78 = arith.cmpi sgt, %parallel_loop3A_75, %parallel_loop3A_77 : vector<16xi32>
          %parallel_loop3A_79 = arith.constant true
          %parallel_loop3A_80 = vector.broadcast %parallel_loop3A_79 : i1 to vector<16xi1>
          %parallel_loop3A_81 = tpu.scan <sum>, %parallel_loop3A_75 masked %parallel_loop3A_80 : vector<16xi32>, vector<16xi1> -> vector<16xi32>
          %parallel_loop3A_82 = arith.addi %parallel_loop3A_60, %parallel_loop3A_81 : vector<16xi32>
          %parallel_loop3A_83 = arith.subi %parallel_loop3A_61, %parallel_loop3A_81 : vector<16xi32>
          %parallel_loop3A_84 = arith.select %parallel_loop3A_78, %parallel_loop3A_82, %parallel_loop3A_83 : vector<16xi1>, vector<16xi32>
          tpu.vector_store_idx %arg8[%parallel_loop3A_84], %parallel_loop3A_59 : memref<8192xi32, #tpu.memory_space<vmem>>[vector<16xi32>], vector<16xi32>,
          %parallel_loop3A_85 = tpu.all_reduce %parallel_loop3A_78 {dim = 0 : i64, kind = #tpu.reduction_kind<sum>} : vector<16xi1> -> vector<16xi32>
          %parallel_loop3A_86 = arith.constant 16 : i32
          %parallel_loop3A_87 = vector.broadcast %parallel_loop3A_86 : i32 to vector<16xi32>
          %parallel_loop3A_88 = arith.addi %parallel_loop3A_59, %parallel_loop3A_87 : vector<16xi32>
          %parallel_loop3A_89 = arith.addi %parallel_loop3A_60, %parallel_loop3A_85 : vector<16xi32>
          %parallel_loop3A_90 = arith.constant 16 : i32
          %parallel_loop3A_91 = vector.broadcast %parallel_loop3A_90 : i32 to vector<16xi32>
          %parallel_loop3A_92 = arith.subi %parallel_loop3A_91, %parallel_loop3A_85 : vector<16xi32>
          %parallel_loop3A_93 = arith.addi %parallel_loop3A_61, %parallel_loop3A_92 : vector<16xi32>
          scf.yield %parallel_loop3A_88, %parallel_loop3A_89, %parallel_loop3A_93 : vector<16xi32>, vector<16xi32>, vector<16xi32>
        } {sc.loop_unroll_factor = 8 : i64, sc.parallel_access}
        %dma_start3A = arith.constant 0 : i32
        %dma_start3A_53 = tpu.memref_slice %arg4[%add3A_30, %dma_start3A] : memref<2048x8192xi32, #tpu.memory_space<hbm>> -> memref<1x8192xi32, #tpu.memory_space<hbm>>
        %dma_start3A_54 = tpu.memref_squeeze %dma_start3A_53 : memref<1x8192xi32, #tpu.memory_space<hbm>> -> memref<8192xi32, #tpu.memory_space<hbm>>
        %dma_start3A_55 = arith.constant 0 : i32
        %dma_start3A_56 = tpu.memref_slice %arg4[%add3A_30, %dma_start3A_55] : memref<2048x8192xi32, #tpu.memory_space<hbm>> -> memref<1x8192xi32, #tpu.memory_space<hbm>>
        %dma_start3A_57 = tpu.memref_squeeze %dma_start3A_56 : memref<1x8192xi32, #tpu.memory_space<hbm>> -> memref<8192xi32, #tpu.memory_space<hbm>>
        tpu.enqueue_dma source(%arg8 : memref<8192xi32, #tpu.memory_space<vmem>>) target(%dma_start3A_57 : memref<8192xi32, #tpu.memory_space<hbm>>) target_semaphore(%arg10 : memref<!tpu.dma_semaphore, #tpu.memory_space<semaphore_mem>>)
      } else {
      }
    }
    %scan3A_10 = arith.constant 32 : i32
    %add3A_11 = arith.constant 32 : i32
    %add3A_12 = arith.addi %add3A_4, %add3A_11 : i32
    %sub3A = arith.constant 2 : i32
    %sub3A_13 = arith.subi %add3A_12, %sub3A : i32
    %dma_wait3A = arith.constant 0 : i32
    %dma_wait3A_14 = tpu.memref_slice %arg4[%sub3A_13, %dma_wait3A] : memref<2048x8192xi32, #tpu.memory_space<hbm>> -> memref<1x8192xi32, #tpu.memory_space<hbm>>
    %dma_wait3A_15 = tpu.memref_squeeze %dma_wait3A_14 : memref<1x8192xi32, #tpu.memory_space<hbm>> -> memref<8192xi32, #tpu.memory_space<hbm>>
    %dma_wait3A_16 = arith.constant 0 : i32
    %dma_wait3A_17 = tpu.memref_slice %arg4[%sub3A_13, %dma_wait3A_16] : memref<2048x8192xi32, #tpu.memory_space<hbm>> -> memref<1x8192xi32, #tpu.memory_space<hbm>>
    %dma_wait3A_18 = tpu.memref_squeeze %dma_wait3A_17 : memref<1x8192xi32, #tpu.memory_space<hbm>> -> memref<8192xi32, #tpu.memory_space<hbm>>
    tpu.wait_dma2 semaphore(%arg9 : memref<!tpu.dma_semaphore, #tpu.memory_space<semaphore_mem>>) src(%arg7 : memref<8192xi32, #tpu.memory_space<vmem>>) dst(%dma_wait3A_18 : memref<8192xi32, #tpu.memory_space<hbm>>)
    %add3A_19 = arith.constant 32 : i32
    %add3A_20 = arith.addi %add3A_4, %add3A_19 : i32
    %sub3A_21 = arith.constant 1 : i32
    %sub3A_22 = arith.subi %add3A_20, %sub3A_21 : i32
    %dma_wait3A_23 = arith.constant 0 : i32
    %dma_wait3A_24 = tpu.memref_slice %arg4[%sub3A_22, %dma_wait3A_23] : memref<2048x8192xi32, #tpu.memory_space<hbm>> -> memref<1x8192xi32, #tpu.memory_space<hbm>>
    %dma_wait3A_25 = tpu.memref_squeeze %dma_wait3A_24 : memref<1x8192xi32, #tpu.memory_space<hbm>> -> memref<8192xi32, #tpu.memory_space<hbm>>
    %dma_wait3A_26 = arith.constant 0 : i32
    %dma_wait3A_27 = tpu.memref_slice %arg4[%sub3A_22, %dma_wait3A_26] : memref<2048x8192xi32, #tpu.memory_space<hbm>> -> memref<1x8192xi32, #tpu.memory_space<hbm>>
    %dma_wait3A_28 = tpu.memref_squeeze %dma_wait3A_27 : memref<1x8192xi32, #tpu.memory_space<hbm>> -> memref<8192xi32, #tpu.memory_space<hbm>>
    tpu.wait_dma2 semaphore(%arg10 : memref<!tpu.dma_semaphore, #tpu.memory_space<semaphore_mem>>) src(%arg8 : memref<8192xi32, #tpu.memory_space<vmem>>) dst(%dma_wait3A_28 : memref<8192xi32, #tpu.memory_space<hbm>>)
    return
  }
}

#map = affine_map<(d0, d1) -> (0, 0)>
module attributes {stable_mosaic.version = 14 : i64} {
  func.func @_sc_body_second(%arg0: i32, %arg1: i32, %arg2: memref<1024x256xi32, #tpu.memory_space<hbm>>, %arg3: memref<1024x16xi32, #tpu.memory_space<hbm>>, %arg4: memref<2048x8192xi32, #tpu.memory_space<hbm>>, %arg5: memref<2048x8192xi32, #tpu.memory_space<hbm>>, %arg6: memref<32x256xi32, #tpu.memory_space<vmem>>, %arg7: memref<32x16xi32, #tpu.memory_space<vmem>>, %arg8: memref<8192xi32, #tpu.memory_space<vmem>>, %arg9: memref<8192xi32, #tpu.memory_space<vmem>>, %arg10: memref<!tpu.dma_semaphore, #tpu.memory_space<semaphore_mem>>, %arg11: memref<!tpu.dma_semaphore, #tpu.memory_space<semaphore_mem>>) attributes {dimension_semantics = [#tpu.dimension_semantics<core_parallel>, #tpu.dimension_semantics<subcore_parallel>], iteration_bounds = array<i64: 2, 16>, scalar_prefetch = 0 : i64, scratch_operands = 6 : i64, tpu.core_type = #tpu.core_type<sc_vector_subcore>, window_params = [{transform_indices = #map}, {transform_indices = #map}, {transform_indices = #map}, {transform_indices = #map}]} {
    %mul3A = arith.constant 2 : i32
    %mul3A_0 = arith.muli %arg1, %mul3A : i32
    %add3A = arith.addi %mul3A_0, %arg0 : i32
    %mul3A_1 = arith.constant 32 : i32
    %mul3A_2 = arith.muli %add3A, %mul3A_1 : i32
    %add3A_3 = arith.constant 1024 : i32
    %add3A_4 = arith.addi %add3A_3, %mul3A_2 : i32
    %iota3A = tpu.iota {dimensions = array<i32: 0>} : vector<16xi32>
    %broadcast_in_dim3A = arith.constant 1 : i32
    %broadcast_in_dim3A_5 = vector.broadcast %broadcast_in_dim3A : i32 to vector<16xi32>
    "tpu.region"() ({
      %run_scoped3A = tpu.sem_alloc : memref<!tpu.dma_semaphore, #tpu.memory_space<semaphore_mem>>
      %dma_start3A = arith.constant 0 : i32
      %dma_start3A_29 = tpu.memref_slice %arg2[%mul3A_2, %dma_start3A] : memref<1024x256xi32, #tpu.memory_space<hbm>> -> memref<32x256xi32, #tpu.memory_space<hbm>>
      %dma_start3A_30 = arith.constant 0 : i32
      %dma_start3A_31 = tpu.memref_slice %arg2[%mul3A_2, %dma_start3A_30] : memref<1024x256xi32, #tpu.memory_space<hbm>> -> memref<32x256xi32, #tpu.memory_space<hbm>>
      tpu.enqueue_dma source(%dma_start3A_31 : memref<32x256xi32, #tpu.memory_space<hbm>>) target(%arg6 : memref<32x256xi32, #tpu.memory_space<vmem>>) target_semaphore(%run_scoped3A : memref<!tpu.dma_semaphore, #tpu.memory_space<semaphore_mem>>)
      %dma_wait3A_32 = arith.constant 0 : i32
      %dma_wait3A_33 = tpu.memref_slice %arg2[%mul3A_2, %dma_wait3A_32] : memref<1024x256xi32, #tpu.memory_space<hbm>> -> memref<32x256xi32, #tpu.memory_space<hbm>>
      %dma_wait3A_34 = arith.constant 0 : i32
      %dma_wait3A_35 = tpu.memref_slice %arg2[%mul3A_2, %dma_wait3A_34] : memref<1024x256xi32, #tpu.memory_space<hbm>> -> memref<32x256xi32, #tpu.memory_space<hbm>>
      tpu.wait_dma2 semaphore(%run_scoped3A : memref<!tpu.dma_semaphore, #tpu.memory_space<semaphore_mem>>) src(%dma_wait3A_35 : memref<32x256xi32, #tpu.memory_space<hbm>>) dst(%arg6 : memref<32x256xi32, #tpu.memory_space<vmem>>)
      tpu.yield
    }) : () -> ()
    "tpu.region"() ({
      %run_scoped3A = tpu.sem_alloc : memref<!tpu.dma_semaphore, #tpu.memory_space<semaphore_mem>>
      %dma_start3A = arith.constant 0 : i32
      %dma_start3A_29 = tpu.memref_slice %arg3[%mul3A_2, %dma_start3A] : memref<1024x16xi32, #tpu.memory_space<hbm>> -> memref<32x16xi32, #tpu.memory_space<hbm>>
      %dma_start3A_30 = arith.constant 0 : i32
      %dma_start3A_31 = tpu.memref_slice %arg3[%mul3A_2, %dma_start3A_30] : memref<1024x16xi32, #tpu.memory_space<hbm>> -> memref<32x16xi32, #tpu.memory_space<hbm>>
      tpu.enqueue_dma source(%dma_start3A_31 : memref<32x16xi32, #tpu.memory_space<hbm>>) target(%arg7 : memref<32x16xi32, #tpu.memory_space<vmem>>) target_semaphore(%run_scoped3A : memref<!tpu.dma_semaphore, #tpu.memory_space<semaphore_mem>>)
      %dma_wait3A_32 = arith.constant 0 : i32
      %dma_wait3A_33 = tpu.memref_slice %arg3[%mul3A_2, %dma_wait3A_32] : memref<1024x16xi32, #tpu.memory_space<hbm>> -> memref<32x16xi32, #tpu.memory_space<hbm>>
      %dma_wait3A_34 = arith.constant 0 : i32
      %dma_wait3A_35 = tpu.memref_slice %arg3[%mul3A_2, %dma_wait3A_34] : memref<1024x16xi32, #tpu.memory_space<hbm>> -> memref<32x16xi32, #tpu.memory_space<hbm>>
      tpu.wait_dma2 semaphore(%run_scoped3A : memref<!tpu.dma_semaphore, #tpu.memory_space<semaphore_mem>>) src(%dma_wait3A_35 : memref<32x16xi32, #tpu.memory_space<hbm>>) dst(%arg7 : memref<32x16xi32, #tpu.memory_space<vmem>>)
      tpu.yield
    }) : () -> ()
    %scan3A = arith.constant 0 : i32
    %scan3A_6 = arith.constant 0 : i32
    %scan3A_7 = arith.constant 32 : i32
    %scan3A_8 = arith.addi %scan3A_6, %scan3A_7 : i32
    %scan3A_9 = arith.constant 1 : i32
    scf.for %scan3A_29 = %scan3A_6 to %scan3A_8 step %scan3A_9  : i32 {
      %add3A_30 = arith.addi %add3A_4, %scan3A_29 : i32
      %and3A = arith.constant 1 : i32
      %and3A_31 = arith.andi %scan3A_29, %and3A : i32
      %eq3A = arith.constant 0 : i32
      %eq3A_32 = arith.cmpi eq, %and3A_31, %eq3A : i32
      %convert_element_type3A = arith.extui %eq3A_32 : i1 to i32
      %cond3A = arith.constant 0 : i32
      %cond3A_33 = arith.cmpi ne, %convert_element_type3A, %cond3A : i32
      scf.if %cond3A_33 {
        %ge3A = arith.constant 2 : i32
        %ge3A_41 = arith.cmpi sge, %scan3A_29, %ge3A : i32
        %convert_element_type3A_42 = arith.extui %ge3A_41 : i1 to i32
        %cond3A_43 = arith.constant 0 : i32
        %cond3A_44 = arith.cmpi ne, %convert_element_type3A_42, %cond3A_43 : i32
        scf.if %cond3A_44 {
          %sub3A_58 = arith.constant 2 : i32
          %sub3A_59 = arith.subi %add3A_30, %sub3A_58 : i32
          %dma_wait3A_60 = arith.constant 0 : i32
          %dma_wait3A_61 = tpu.memref_slice %arg5[%sub3A_59, %dma_wait3A_60] : memref<2048x8192xi32, #tpu.memory_space<hbm>> -> memref<1x8192xi32, #tpu.memory_space<hbm>>
          %dma_wait3A_62 = tpu.memref_squeeze %dma_wait3A_61 : memref<1x8192xi32, #tpu.memory_space<hbm>> -> memref<8192xi32, #tpu.memory_space<hbm>>
          %dma_wait3A_63 = arith.constant 0 : i32
          %dma_wait3A_64 = tpu.memref_slice %arg5[%sub3A_59, %dma_wait3A_63] : memref<2048x8192xi32, #tpu.memory_space<hbm>> -> memref<1x8192xi32, #tpu.memory_space<hbm>>
          %dma_wait3A_65 = tpu.memref_squeeze %dma_wait3A_64 : memref<1x8192xi32, #tpu.memory_space<hbm>> -> memref<8192xi32, #tpu.memory_space<hbm>>
          tpu.wait_dma2 semaphore(%arg10 : memref<!tpu.dma_semaphore, #tpu.memory_space<semaphore_mem>>) src(%arg8 : memref<8192xi32, #tpu.memory_space<vmem>>) dst(%dma_wait3A_65 : memref<8192xi32, #tpu.memory_space<hbm>>)
        } else {
        }
        %get3A = arith.index_cast %scan3A_29 : i32 to index
        %get3A_45 = arith.constant 0 : index
        %get3A_46 = tpu.vector_load %arg7[%get3A, %get3A_45] {strides = array<i32>} : memref<32x16xi32, #tpu.memory_space<vmem>>, vector<16xi32>,
        %neg3A = arith.constant 0 : i32
        %neg3A_47 = vector.broadcast %neg3A : i32 to vector<16xi32>
        %neg3A_48 = arith.subi %neg3A_47, %broadcast_in_dim3A_5 : vector<16xi32>
        %add3A_49 = arith.addi %get3A_46, %iota3A : vector<16xi32>
        %parallel_loop3A = arith.constant 0 : i32
        %parallel_loop3A_50 = arith.constant 512 : i32
        %parallel_loop3A_51 = arith.constant 1 : i32
        %parallel_loop3A_52:3 = scf.for %parallel_loop3A_58 = %parallel_loop3A to %parallel_loop3A_50 step %parallel_loop3A_51 iter_args(%parallel_loop3A_59 = %iota3A, %parallel_loop3A_60 = %neg3A_48, %parallel_loop3A_61 = %add3A_49) -> (vector<16xi32>, vector<16xi32>, vector<16xi32>)  : i32 {
          %parallel_loop3A_62 = arith.constant 15 : i32
          %parallel_loop3A_63 = arith.andi %parallel_loop3A_58, %parallel_loop3A_62 : i32
          %parallel_loop3A_64 = arith.constant 4 : i32
          %parallel_loop3A_65 = arith.shrsi %parallel_loop3A_58, %parallel_loop3A_64 : i32
          %parallel_loop3A_66 = arith.constant 16 : i32
          %parallel_loop3A_67 = arith.muli %parallel_loop3A_63, %parallel_loop3A_66 : i32
          %parallel_loop3A_68 = arith.index_cast %scan3A_29 : i32 to index
          %parallel_loop3A_69 = arith.index_cast %parallel_loop3A_67 : i32 to index
          %parallel_loop3A_70 = tpu.vector_load %arg6[%parallel_loop3A_68, %parallel_loop3A_69] {strides = array<i32>} : memref<32x256xi32, #tpu.memory_space<vmem>>, vector<16xi32>,
          %parallel_loop3A_71 = vector.broadcast %parallel_loop3A_65 : i32 to vector<16xi32>
          %parallel_loop3A_72 = arith.shrsi %parallel_loop3A_70, %parallel_loop3A_71 : vector<16xi32>
          %parallel_loop3A_73 = arith.constant 1 : i32
          %parallel_loop3A_74 = vector.broadcast %parallel_loop3A_73 : i32 to vector<16xi32>
          %parallel_loop3A_75 = arith.andi %parallel_loop3A_72, %parallel_loop3A_74 : vector<16xi32>
          %parallel_loop3A_76 = arith.constant 0 : i32
          %parallel_loop3A_77 = vector.broadcast %parallel_loop3A_76 : i32 to vector<16xi32>
          %parallel_loop3A_78 = arith.cmpi sgt, %parallel_loop3A_75, %parallel_loop3A_77 : vector<16xi32>
          %parallel_loop3A_79 = arith.constant true
          %parallel_loop3A_80 = vector.broadcast %parallel_loop3A_79 : i1 to vector<16xi1>
          %parallel_loop3A_81 = tpu.scan <sum>, %parallel_loop3A_75 masked %parallel_loop3A_80 : vector<16xi32>, vector<16xi1> -> vector<16xi32>
          %parallel_loop3A_82 = arith.addi %parallel_loop3A_60, %parallel_loop3A_81 : vector<16xi32>
          %parallel_loop3A_83 = arith.subi %parallel_loop3A_61, %parallel_loop3A_81 : vector<16xi32>
          %parallel_loop3A_84 = arith.select %parallel_loop3A_78, %parallel_loop3A_82, %parallel_loop3A_83 : vector<16xi1>, vector<16xi32>
          tpu.vector_store_idx %arg8[%parallel_loop3A_84], %parallel_loop3A_59 : memref<8192xi32, #tpu.memory_space<vmem>>[vector<16xi32>], vector<16xi32>,
          %parallel_loop3A_85 = tpu.all_reduce %parallel_loop3A_78 {dim = 0 : i64, kind = #tpu.reduction_kind<sum>} : vector<16xi1> -> vector<16xi32>
          %parallel_loop3A_86 = arith.constant 16 : i32
          %parallel_loop3A_87 = vector.broadcast %parallel_loop3A_86 : i32 to vector<16xi32>
          %parallel_loop3A_88 = arith.addi %parallel_loop3A_59, %parallel_loop3A_87 : vector<16xi32>
          %parallel_loop3A_89 = arith.addi %parallel_loop3A_60, %parallel_loop3A_85 : vector<16xi32>
          %parallel_loop3A_90 = arith.constant 16 : i32
          %parallel_loop3A_91 = vector.broadcast %parallel_loop3A_90 : i32 to vector<16xi32>
          %parallel_loop3A_92 = arith.subi %parallel_loop3A_91, %parallel_loop3A_85 : vector<16xi32>
          %parallel_loop3A_93 = arith.addi %parallel_loop3A_61, %parallel_loop3A_92 : vector<16xi32>
          scf.yield %parallel_loop3A_88, %parallel_loop3A_89, %parallel_loop3A_93 : vector<16xi32>, vector<16xi32>, vector<16xi32>
        } {sc.loop_unroll_factor = 8 : i64, sc.parallel_access}
        %dma_start3A = arith.constant 0 : i32
        %dma_start3A_53 = tpu.memref_slice %arg5[%add3A_30, %dma_start3A] : memref<2048x8192xi32, #tpu.memory_space<hbm>> -> memref<1x8192xi32, #tpu.memory_space<hbm>>
        %dma_start3A_54 = tpu.memref_squeeze %dma_start3A_53 : memref<1x8192xi32, #tpu.memory_space<hbm>> -> memref<8192xi32, #tpu.memory_space<hbm>>
        %dma_start3A_55 = arith.constant 0 : i32
        %dma_start3A_56 = tpu.memref_slice %arg5[%add3A_30, %dma_start3A_55] : memref<2048x8192xi32, #tpu.memory_space<hbm>> -> memref<1x8192xi32, #tpu.memory_space<hbm>>
        %dma_start3A_57 = tpu.memref_squeeze %dma_start3A_56 : memref<1x8192xi32, #tpu.memory_space<hbm>> -> memref<8192xi32, #tpu.memory_space<hbm>>
        tpu.enqueue_dma source(%arg8 : memref<8192xi32, #tpu.memory_space<vmem>>) target(%dma_start3A_57 : memref<8192xi32, #tpu.memory_space<hbm>>) target_semaphore(%arg10 : memref<!tpu.dma_semaphore, #tpu.memory_space<semaphore_mem>>)
      } else {
      }
      %and3A_34 = arith.constant 1 : i32
      %and3A_35 = arith.andi %scan3A_29, %and3A_34 : i32
      %eq3A_36 = arith.constant 1 : i32
      %eq3A_37 = arith.cmpi eq, %and3A_35, %eq3A_36 : i32
      %convert_element_type3A_38 = arith.extui %eq3A_37 : i1 to i32
      %cond3A_39 = arith.constant 0 : i32
      %cond3A_40 = arith.cmpi ne, %convert_element_type3A_38, %cond3A_39 : i32
      scf.if %cond3A_40 {
        %ge3A = arith.constant 2 : i32
        %ge3A_41 = arith.cmpi sge, %scan3A_29, %ge3A : i32
        %convert_element_type3A_42 = arith.extui %ge3A_41 : i1 to i32
        %cond3A_43 = arith.constant 0 : i32
        %cond3A_44 = arith.cmpi ne, %convert_element_type3A_42, %cond3A_43 : i32
        scf.if %cond3A_44 {
          %sub3A_58 = arith.constant 2 : i32
          %sub3A_59 = arith.subi %add3A_30, %sub3A_58 : i32
          %dma_wait3A_60 = arith.constant 0 : i32
          %dma_wait3A_61 = tpu.memref_slice %arg5[%sub3A_59, %dma_wait3A_60] : memref<2048x8192xi32, #tpu.memory_space<hbm>> -> memref<1x8192xi32, #tpu.memory_space<hbm>>
          %dma_wait3A_62 = tpu.memref_squeeze %dma_wait3A_61 : memref<1x8192xi32, #tpu.memory_space<hbm>> -> memref<8192xi32, #tpu.memory_space<hbm>>
          %dma_wait3A_63 = arith.constant 0 : i32
          %dma_wait3A_64 = tpu.memref_slice %arg5[%sub3A_59, %dma_wait3A_63] : memref<2048x8192xi32, #tpu.memory_space<hbm>> -> memref<1x8192xi32, #tpu.memory_space<hbm>>
          %dma_wait3A_65 = tpu.memref_squeeze %dma_wait3A_64 : memref<1x8192xi32, #tpu.memory_space<hbm>> -> memref<8192xi32, #tpu.memory_space<hbm>>
          tpu.wait_dma2 semaphore(%arg11 : memref<!tpu.dma_semaphore, #tpu.memory_space<semaphore_mem>>) src(%arg9 : memref<8192xi32, #tpu.memory_space<vmem>>) dst(%dma_wait3A_65 : memref<8192xi32, #tpu.memory_space<hbm>>)
        } else {
        }
        %get3A = arith.index_cast %scan3A_29 : i32 to index
        %get3A_45 = arith.constant 0 : index
        %get3A_46 = tpu.vector_load %arg7[%get3A, %get3A_45] {strides = array<i32>} : memref<32x16xi32, #tpu.memory_space<vmem>>, vector<16xi32>,
        %neg3A = arith.constant 0 : i32
        %neg3A_47 = vector.broadcast %neg3A : i32 to vector<16xi32>
        %neg3A_48 = arith.subi %neg3A_47, %broadcast_in_dim3A_5 : vector<16xi32>
        %add3A_49 = arith.addi %get3A_46, %iota3A : vector<16xi32>
        %parallel_loop3A = arith.constant 0 : i32
        %parallel_loop3A_50 = arith.constant 512 : i32
        %parallel_loop3A_51 = arith.constant 1 : i32
        %parallel_loop3A_52:3 = scf.for %parallel_loop3A_58 = %parallel_loop3A to %parallel_loop3A_50 step %parallel_loop3A_51 iter_args(%parallel_loop3A_59 = %iota3A, %parallel_loop3A_60 = %neg3A_48, %parallel_loop3A_61 = %add3A_49) -> (vector<16xi32>, vector<16xi32>, vector<16xi32>)  : i32 {
          %parallel_loop3A_62 = arith.constant 15 : i32
          %parallel_loop3A_63 = arith.andi %parallel_loop3A_58, %parallel_loop3A_62 : i32
          %parallel_loop3A_64 = arith.constant 4 : i32
          %parallel_loop3A_65 = arith.shrsi %parallel_loop3A_58, %parallel_loop3A_64 : i32
          %parallel_loop3A_66 = arith.constant 16 : i32
          %parallel_loop3A_67 = arith.muli %parallel_loop3A_63, %parallel_loop3A_66 : i32
          %parallel_loop3A_68 = arith.index_cast %scan3A_29 : i32 to index
          %parallel_loop3A_69 = arith.index_cast %parallel_loop3A_67 : i32 to index
          %parallel_loop3A_70 = tpu.vector_load %arg6[%parallel_loop3A_68, %parallel_loop3A_69] {strides = array<i32>} : memref<32x256xi32, #tpu.memory_space<vmem>>, vector<16xi32>,
          %parallel_loop3A_71 = vector.broadcast %parallel_loop3A_65 : i32 to vector<16xi32>
          %parallel_loop3A_72 = arith.shrsi %parallel_loop3A_70, %parallel_loop3A_71 : vector<16xi32>
          %parallel_loop3A_73 = arith.constant 1 : i32
          %parallel_loop3A_74 = vector.broadcast %parallel_loop3A_73 : i32 to vector<16xi32>
          %parallel_loop3A_75 = arith.andi %parallel_loop3A_72, %parallel_loop3A_74 : vector<16xi32>
          %parallel_loop3A_76 = arith.constant 0 : i32
          %parallel_loop3A_77 = vector.broadcast %parallel_loop3A_76 : i32 to vector<16xi32>
          %parallel_loop3A_78 = arith.cmpi sgt, %parallel_loop3A_75, %parallel_loop3A_77 : vector<16xi32>
          %parallel_loop3A_79 = arith.constant true
          %parallel_loop3A_80 = vector.broadcast %parallel_loop3A_79 : i1 to vector<16xi1>
          %parallel_loop3A_81 = tpu.scan <sum>, %parallel_loop3A_75 masked %parallel_loop3A_80 : vector<16xi32>, vector<16xi1> -> vector<16xi32>
          %parallel_loop3A_82 = arith.addi %parallel_loop3A_60, %parallel_loop3A_81 : vector<16xi32>
          %parallel_loop3A_83 = arith.subi %parallel_loop3A_61, %parallel_loop3A_81 : vector<16xi32>
          %parallel_loop3A_84 = arith.select %parallel_loop3A_78, %parallel_loop3A_82, %parallel_loop3A_83 : vector<16xi1>, vector<16xi32>
          tpu.vector_store_idx %arg9[%parallel_loop3A_84], %parallel_loop3A_59 : memref<8192xi32, #tpu.memory_space<vmem>>[vector<16xi32>], vector<16xi32>,
          %parallel_loop3A_85 = tpu.all_reduce %parallel_loop3A_78 {dim = 0 : i64, kind = #tpu.reduction_kind<sum>} : vector<16xi1> -> vector<16xi32>
          %parallel_loop3A_86 = arith.constant 16 : i32
          %parallel_loop3A_87 = vector.broadcast %parallel_loop3A_86 : i32 to vector<16xi32>
          %parallel_loop3A_88 = arith.addi %parallel_loop3A_59, %parallel_loop3A_87 : vector<16xi32>
          %parallel_loop3A_89 = arith.addi %parallel_loop3A_60, %parallel_loop3A_85 : vector<16xi32>
          %parallel_loop3A_90 = arith.constant 16 : i32
          %parallel_loop3A_91 = vector.broadcast %parallel_loop3A_90 : i32 to vector<16xi32>
          %parallel_loop3A_92 = arith.subi %parallel_loop3A_91, %parallel_loop3A_85 : vector<16xi32>
          %parallel_loop3A_93 = arith.addi %parallel_loop3A_61, %parallel_loop3A_92 : vector<16xi32>
          scf.yield %parallel_loop3A_88, %parallel_loop3A_89, %parallel_loop3A_93 : vector<16xi32>, vector<16xi32>, vector<16xi32>
        } {sc.loop_unroll_factor = 8 : i64, sc.parallel_access}
        %dma_start3A = arith.constant 0 : i32
        %dma_start3A_53 = tpu.memref_slice %arg5[%add3A_30, %dma_start3A] : memref<2048x8192xi32, #tpu.memory_space<hbm>> -> memref<1x8192xi32, #tpu.memory_space<hbm>>
        %dma_start3A_54 = tpu.memref_squeeze %dma_start3A_53 : memref<1x8192xi32, #tpu.memory_space<hbm>> -> memref<8192xi32, #tpu.memory_space<hbm>>
        %dma_start3A_55 = arith.constant 0 : i32
        %dma_start3A_56 = tpu.memref_slice %arg5[%add3A_30, %dma_start3A_55] : memref<2048x8192xi32, #tpu.memory_space<hbm>> -> memref<1x8192xi32, #tpu.memory_space<hbm>>
        %dma_start3A_57 = tpu.memref_squeeze %dma_start3A_56 : memref<1x8192xi32, #tpu.memory_space<hbm>> -> memref<8192xi32, #tpu.memory_space<hbm>>
        tpu.enqueue_dma source(%arg9 : memref<8192xi32, #tpu.memory_space<vmem>>) target(%dma_start3A_57 : memref<8192xi32, #tpu.memory_space<hbm>>) target_semaphore(%arg11 : memref<!tpu.dma_semaphore, #tpu.memory_space<semaphore_mem>>)
      } else {
      }
    }
    %scan3A_10 = arith.constant 32 : i32
    %add3A_11 = arith.constant 32 : i32
    %add3A_12 = arith.addi %add3A_4, %add3A_11 : i32
    %sub3A = arith.constant 2 : i32
    %sub3A_13 = arith.subi %add3A_12, %sub3A : i32
    %dma_wait3A = arith.constant 0 : i32
    %dma_wait3A_14 = tpu.memref_slice %arg5[%sub3A_13, %dma_wait3A] : memref<2048x8192xi32, #tpu.memory_space<hbm>> -> memref<1x8192xi32, #tpu.memory_space<hbm>>
    %dma_wait3A_15 = tpu.memref_squeeze %dma_wait3A_14 : memref<1x8192xi32, #tpu.memory_space<hbm>> -> memref<8192xi32, #tpu.memory_space<hbm>>
    %dma_wait3A_16 = arith.constant 0 : i32
    %dma_wait3A_17 = tpu.memref_slice %arg5[%sub3A_13, %dma_wait3A_16] : memref<2048x8192xi32, #tpu.memory_space<hbm>> -> memref<1x8192xi32, #tpu.memory_space<hbm>>
    %dma_wait3A_18 = tpu.memref_squeeze %dma_wait3A_17 : memref<1x8192xi32, #tpu.memory_space<hbm>> -> memref<8192xi32, #tpu.memory_space<hbm>>
    tpu.wait_dma2 semaphore(%arg10 : memref<!tpu.dma_semaphore, #tpu.memory_space<semaphore_mem>>) src(%arg8 : memref<8192xi32, #tpu.memory_space<vmem>>) dst(%dma_wait3A_18 : memref<8192xi32, #tpu.memory_space<hbm>>)
    %add3A_19 = arith.constant 32 : i32
    %add3A_20 = arith.addi %add3A_4, %add3A_19 : i32
    %sub3A_21 = arith.constant 1 : i32
    %sub3A_22 = arith.subi %add3A_20, %sub3A_21 : i32
    %dma_wait3A_23 = arith.constant 0 : i32
    %dma_wait3A_24 = tpu.memref_slice %arg5[%sub3A_22, %dma_wait3A_23] : memref<2048x8192xi32, #tpu.memory_space<hbm>> -> memref<1x8192xi32, #tpu.memory_space<hbm>>
    %dma_wait3A_25 = tpu.memref_squeeze %dma_wait3A_24 : memref<1x8192xi32, #tpu.memory_space<hbm>> -> memref<8192xi32, #tpu.memory_space<hbm>>
    %dma_wait3A_26 = arith.constant 0 : i32
    %dma_wait3A_27 = tpu.memref_slice %arg5[%sub3A_22, %dma_wait3A_26] : memref<2048x8192xi32, #tpu.memory_space<hbm>> -> memref<1x8192xi32, #tpu.memory_space<hbm>>
    %dma_wait3A_28 = tpu.memref_squeeze %dma_wait3A_27 : memref<1x8192xi32, #tpu.memory_space<hbm>> -> memref<8192xi32, #tpu.memory_space<hbm>>
    tpu.wait_dma2 semaphore(%arg11 : memref<!tpu.dma_semaphore, #tpu.memory_space<semaphore_mem>>) src(%arg9 : memref<8192xi32, #tpu.memory_space<vmem>>) dst(%dma_wait3A_28 : memref<8192xi32, #tpu.memory_space<hbm>>)
    return
  }
}

module attributes {stable_mosaic.version = 14 : i64} {
  func.func @_mask_kernel(%arg0: i32, %arg1: memref<256x3xf32, #tpu.memory_space<vmem>>, %arg2: memref<8192x3xf32, #tpu.memory_space<vmem>>, %arg3: memref<1x8192xf32, #tpu.memory_space<vmem>>, %arg4: memref<256x8192xi32, #tpu.memory_space<vmem>>, %arg5: memref<256x256xi32, #tpu.memory_space<vmem>>, %arg6: memref<256x16xi32, #tpu.memory_space<vmem>>) attributes {dimension_semantics = [#tpu.dimension_semantics<arbitrary>], iteration_bounds = array<i64: 4>, scalar_prefetch = 0 : i64, scratch_operands = 0 : i64, tpu.core_type = #tpu.core_type<tc>, window_params = [{transform_indices = @transform_0, window_bounds = array<i64: 256, 3>}, {pipeline_mode = #tpu.pipeline_mode<synchronous>, transform_indices = @transform_1, window_bounds = array<i64: 8192, 3>}, {pipeline_mode = #tpu.pipeline_mode<synchronous>, transform_indices = @transform_2, window_bounds = array<i64: 1, 8192>}, {transform_indices = @transform_3, window_bounds = array<i64: 256, 8192>}, {transform_indices = @transform_4, window_bounds = array<i64: 256, 256>}, {transform_indices = @transform_5, window_bounds = array<i64: 256, 16>}]} {
    %get3A = arith.constant 0 : index
    %get3A_0 = arith.constant 0 : index
    %get3A_1 = vector.load %arg1[%get3A, %get3A_0] : memref<256x3xf32, #tpu.memory_space<vmem>>, vector<256x3xf32>
    %get3A_2 = arith.constant 0 : index
    %get3A_3 = arith.constant 0 : index
    %get3A_4 = vector.load %arg2[%get3A_2, %get3A_3] : memref<8192x3xf32, #tpu.memory_space<vmem>>, vector<8192x3xf32>
    %dot_general3A = arith.constant dense<0.000000e+00> : vector<256x8192xf32>
    %dot_general3A_5 = tpu.matmul %get3A_1, %get3A_4, %dot_general3A {dimension_numbers = #tpu.dot_dimension_numbers<[1], [1], [0], [0], [0, 0, 1, 0], [], []>, transpose_lhs_hint = false} : vector<256x3xf32>, vector<8192x3xf32>, vector<256x8192xf32> -> vector<256x8192xf32>
    %mul3A = arith.mulf %get3A_1, %get3A_1 : vector<256x3xf32>
    %reduce_sum3A = arith.constant dense<0.000000e+00> : vector<256xf32>
    %reduce_sum3A_6 = vector.multi_reduction <add>, %mul3A, %reduce_sum3A [1] : vector<256x3xf32> to vector<256xf32>
    %broadcast_in_dim3A = vector.shape_cast %reduce_sum3A_6 : vector<256xf32> to vector<256x1xf32>
    %get3A_7 = arith.constant 0 : index
    %get3A_8 = arith.constant 0 : index
    %get3A_9 = vector.load %arg3[%get3A_7, %get3A_8] : memref<1x8192xf32, #tpu.memory_space<vmem>>, vector<1x8192xf32>
    %add3A = vector.broadcast %broadcast_in_dim3A : vector<256x1xf32> to vector<256x8192xf32>
    %add3A_10 = vector.broadcast %get3A_9 : vector<1x8192xf32> to vector<256x8192xf32>
    %add3A_11 = arith.addf %add3A, %add3A_10 : vector<256x8192xf32>
    %mul3A_12 = arith.constant 2.000000e+00 : f32
    %mul3A_13 = vector.broadcast %mul3A_12 : f32 to vector<256x8192xf32>
    %mul3A_14 = arith.mulf %mul3A_13, %dot_general3A_5 : vector<256x8192xf32>
    %sub3A = arith.subf %add3A_11, %mul3A_14 : vector<256x8192xf32>
    %le3A = arith.constant 2.500000e-01 : f32
    %le3A_15 = vector.broadcast %le3A : f32 to vector<256x8192xf32>
    %le3A_16 = arith.cmpf ole, %sub3A, %le3A_15 : vector<256x8192xf32>
    %swap3A = arith.constant 0 : index
    %swap3A_17 = arith.constant 0 : index
    %swap3A_18 = vector.load %arg4[%swap3A, %swap3A_17] : memref<256x8192xi32, #tpu.memory_space<vmem>>, vector<256x8192xi32>
    %swap3A_19 = arith.extui %le3A_16 : vector<256x8192xi1> to vector<256x8192xi32>
    %swap3A_20 = arith.constant dense<0> : vector<256x8192xi32>
    %swap3A_21 = arith.cmpi ne, %swap3A_18, %swap3A_20 : vector<256x8192xi32>
    tpu.vector_store %arg4[%swap3A, %swap3A_17], %swap3A_19 {strides = array<i32>} : memref<256x8192xi32, #tpu.memory_space<vmem>>, vector<256x8192xi32>,
    %jit3A = arith.constant 1.000000e+00 : f32
    %jit3A_22 = arith.constant 0.000000e+00 : f32
    %broadcast_in_dim3A_23 = vector.broadcast %jit3A : f32 to vector<256x8192xf32>
    %broadcast_in_dim3A_24 = vector.broadcast %jit3A_22 : f32 to vector<256x8192xf32>
    %select_n3A = arith.select %le3A_16, %broadcast_in_dim3A_23, %broadcast_in_dim3A_24 : vector<256x8192xi1>, vector<256x8192xf32>
    %broadcast_in_dim3A_25 = arith.constant 1.000000e+00 : f32
    %broadcast_in_dim3A_26 = vector.broadcast %broadcast_in_dim3A_25 : f32 to vector<8192x1xf32>
    %dot_general3A_27 = arith.constant dense<0.000000e+00> : vector<256x1xf32>
    %dot_general3A_28 = tpu.matmul %select_n3A, %broadcast_in_dim3A_26, %dot_general3A_27 {dimension_numbers = #tpu.dot_dimension_numbers<[1], [0], [0], [1], [0, 0, 1, 1], [], []>, transpose_lhs_hint = false} : vector<256x8192xf32>, vector<8192x1xf32>, vector<256x1xf32> -> vector<256x1xf32>
    %convert_element_type3A = arith.fptosi %dot_general3A_28 : vector<256x1xf32> to vector<256x1xi32>
    %broadcast_in_dim3A_29 = vector.shape_cast %convert_element_type3A : vector<256x1xi32> to vector<256x1xi32>
    %broadcast_in_dim3A_30 = vector.broadcast %broadcast_in_dim3A_29 : vector<256x1xi32> to vector<256x16xi32>
    %swap3A_31 = arith.constant 0 : index
    %swap3A_32 = arith.constant 0 : index
    %swap3A_33 = vector.load %arg6[%swap3A_31, %swap3A_32] : memref<256x16xi32, #tpu.memory_space<vmem>>, vector<256x16xi32>
    tpu.vector_store %arg6[%swap3A_31, %swap3A_32], %broadcast_in_dim3A_30 {strides = array<i32>} : memref<256x16xi32, #tpu.memory_space<vmem>>, vector<256x16xi32>,
    %slice3A = vector.extract_strided_slice %le3A_16 {offsets = [0, 0], sizes = [256, 256], strides = [1, 1]} : vector<256x8192xi1> to vector<256x256xi1>
    %jit3A_34 = arith.constant 1 : i32
    %jit3A_35 = arith.constant 0 : i32
    %broadcast_in_dim3A_36 = vector.broadcast %jit3A_34 : i32 to vector<256x256xi32>
    %broadcast_in_dim3A_37 = vector.broadcast %jit3A_35 : i32 to vector<256x256xi32>
    %select_n3A_38 = arith.select %slice3A, %broadcast_in_dim3A_36, %broadcast_in_dim3A_37 : vector<256x256xi1>, vector<256x256xi32>
    %slice3A_39 = vector.extract_strided_slice %le3A_16 {offsets = [0, 256], sizes = [256, 256], strides = [1, 1]} : vector<256x8192xi1> to vector<256x256xi1>
    %jit3A_40 = arith.constant 2 : i32
    %jit3A_41 = arith.constant 0 : i32
    %broadcast_in_dim3A_42 = vector.broadcast %jit3A_40 : i32 to vector<256x256xi32>
    %broadcast_in_dim3A_43 = vector.broadcast %jit3A_41 : i32 to vector<256x256xi32>
    %select_n3A_44 = arith.select %slice3A_39, %broadcast_in_dim3A_42, %broadcast_in_dim3A_43 : vector<256x256xi1>, vector<256x256xi32>
    %add3A_45 = arith.addi %select_n3A_38, %select_n3A_44 : vector<256x256xi32>
    %slice3A_46 = vector.extract_strided_slice %le3A_16 {offsets = [0, 512], sizes = [256, 256], strides = [1, 1]} : vector<256x8192xi1> to vector<256x256xi1>
    %jit3A_47 = arith.constant 4 : i32
    %jit3A_48 = arith.constant 0 : i32
    %broadcast_in_dim3A_49 = vector.broadcast %jit3A_47 : i32 to vector<256x256xi32>
    %broadcast_in_dim3A_50 = vector.broadcast %jit3A_48 : i32 to vector<256x256xi32>
    %select_n3A_51 = arith.select %slice3A_46, %broadcast_in_dim3A_49, %broadcast_in_dim3A_50 : vector<256x256xi1>, vector<256x256xi32>
    %add3A_52 = arith.addi %add3A_45, %select_n3A_51 : vector<256x256xi32>
    %slice3A_53 = vector.extract_strided_slice %le3A_16 {offsets = [0, 768], sizes = [256, 256], strides = [1, 1]} : vector<256x8192xi1> to vector<256x256xi1>
    %jit3A_54 = arith.constant 8 : i32
    %jit3A_55 = arith.constant 0 : i32
    %broadcast_in_dim3A_56 = vector.broadcast %jit3A_54 : i32 to vector<256x256xi32>
    %broadcast_in_dim3A_57 = vector.broadcast %jit3A_55 : i32 to vector<256x256xi32>
    %select_n3A_58 = arith.select %slice3A_53, %broadcast_in_dim3A_56, %broadcast_in_dim3A_57 : vector<256x256xi1>, vector<256x256xi32>
    %add3A_59 = arith.addi %add3A_52, %select_n3A_58 : vector<256x256xi32>
    %slice3A_60 = vector.extract_strided_slice %le3A_16 {offsets = [0, 1024], sizes = [256, 256], strides = [1, 1]} : vector<256x8192xi1> to vector<256x256xi1>
    %jit3A_61 = arith.constant 16 : i32
    %jit3A_62 = arith.constant 0 : i32
    %broadcast_in_dim3A_63 = vector.broadcast %jit3A_61 : i32 to vector<256x256xi32>
    %broadcast_in_dim3A_64 = vector.broadcast %jit3A_62 : i32 to vector<256x256xi32>
    %select_n3A_65 = arith.select %slice3A_60, %broadcast_in_dim3A_63, %broadcast_in_dim3A_64 : vector<256x256xi1>, vector<256x256xi32>
    %add3A_66 = arith.addi %add3A_59, %select_n3A_65 : vector<256x256xi32>
    %slice3A_67 = vector.extract_strided_slice %le3A_16 {offsets = [0, 1280], sizes = [256, 256], strides = [1, 1]} : vector<256x8192xi1> to vector<256x256xi1>
    %jit3A_68 = arith.constant 32 : i32
    %jit3A_69 = arith.constant 0 : i32
    %broadcast_in_dim3A_70 = vector.broadcast %jit3A_68 : i32 to vector<256x256xi32>
    %broadcast_in_dim3A_71 = vector.broadcast %jit3A_69 : i32 to vector<256x256xi32>
    %select_n3A_72 = arith.select %slice3A_67, %broadcast_in_dim3A_70, %broadcast_in_dim3A_71 : vector<256x256xi1>, vector<256x256xi32>
    %add3A_73 = arith.addi %add3A_66, %select_n3A_72 : vector<256x256xi32>
    %slice3A_74 = vector.extract_strided_slice %le3A_16 {offsets = [0, 1536], sizes = [256, 256], strides = [1, 1]} : vector<256x8192xi1> to vector<256x256xi1>
    %jit3A_75 = arith.constant 64 : i32
    %jit3A_76 = arith.constant 0 : i32
    %broadcast_in_dim3A_77 = vector.broadcast %jit3A_75 : i32 to vector<256x256xi32>
    %broadcast_in_dim3A_78 = vector.broadcast %jit3A_76 : i32 to vector<256x256xi32>
    %select_n3A_79 = arith.select %slice3A_74, %broadcast_in_dim3A_77, %broadcast_in_dim3A_78 : vector<256x256xi1>, vector<256x256xi32>
    %add3A_80 = arith.addi %add3A_73, %select_n3A_79 : vector<256x256xi32>
    %slice3A_81 = vector.extract_strided_slice %le3A_16 {offsets = [0, 1792], sizes = [256, 256], strides = [1, 1]} : vector<256x8192xi1> to vector<256x256xi1>
    %jit3A_82 = arith.constant 128 : i32
    %jit3A_83 = arith.constant 0 : i32
    %broadcast_in_dim3A_84 = vector.broadcast %jit3A_82 : i32 to vector<256x256xi32>
    %broadcast_in_dim3A_85 = vector.broadcast %jit3A_83 : i32 to vector<256x256xi32>
    %select_n3A_86 = arith.select %slice3A_81, %broadcast_in_dim3A_84, %broadcast_in_dim3A_85 : vector<256x256xi1>, vector<256x256xi32>
    %add3A_87 = arith.addi %add3A_80, %select_n3A_86 : vector<256x256xi32>
    %slice3A_88 = vector.extract_strided_slice %le3A_16 {offsets = [0, 2048], sizes = [256, 256], strides = [1, 1]} : vector<256x8192xi1> to vector<256x256xi1>
    %jit3A_89 = arith.constant 256 : i32
    %jit3A_90 = arith.constant 0 : i32
    %broadcast_in_dim3A_91 = vector.broadcast %jit3A_89 : i32 to vector<256x256xi32>
    %broadcast_in_dim3A_92 = vector.broadcast %jit3A_90 : i32 to vector<256x256xi32>
    %select_n3A_93 = arith.select %slice3A_88, %broadcast_in_dim3A_91, %broadcast_in_dim3A_92 : vector<256x256xi1>, vector<256x256xi32>
    %add3A_94 = arith.addi %add3A_87, %select_n3A_93 : vector<256x256xi32>
    %slice3A_95 = vector.extract_strided_slice %le3A_16 {offsets = [0, 2304], sizes = [256, 256], strides = [1, 1]} : vector<256x8192xi1> to vector<256x256xi1>
    %jit3A_96 = arith.constant 512 : i32
    %jit3A_97 = arith.constant 0 : i32
    %broadcast_in_dim3A_98 = vector.broadcast %jit3A_96 : i32 to vector<256x256xi32>
    %broadcast_in_dim3A_99 = vector.broadcast %jit3A_97 : i32 to vector<256x256xi32>
    %select_n3A_100 = arith.select %slice3A_95, %broadcast_in_dim3A_98, %broadcast_in_dim3A_99 : vector<256x256xi1>, vector<256x256xi32>
    %add3A_101 = arith.addi %add3A_94, %select_n3A_100 : vector<256x256xi32>
    %slice3A_102 = vector.extract_strided_slice %le3A_16 {offsets = [0, 2560], sizes = [256, 256], strides = [1, 1]} : vector<256x8192xi1> to vector<256x256xi1>
    %jit3A_103 = arith.constant 1024 : i32
    %jit3A_104 = arith.constant 0 : i32
    %broadcast_in_dim3A_105 = vector.broadcast %jit3A_103 : i32 to vector<256x256xi32>
    %broadcast_in_dim3A_106 = vector.broadcast %jit3A_104 : i32 to vector<256x256xi32>
    %select_n3A_107 = arith.select %slice3A_102, %broadcast_in_dim3A_105, %broadcast_in_dim3A_106 : vector<256x256xi1>, vector<256x256xi32>
    %add3A_108 = arith.addi %add3A_101, %select_n3A_107 : vector<256x256xi32>
    %slice3A_109 = vector.extract_strided_slice %le3A_16 {offsets = [0, 2816], sizes = [256, 256], strides = [1, 1]} : vector<256x8192xi1> to vector<256x256xi1>
    %jit3A_110 = arith.constant 2048 : i32
    %jit3A_111 = arith.constant 0 : i32
    %broadcast_in_dim3A_112 = vector.broadcast %jit3A_110 : i32 to vector<256x256xi32>
    %broadcast_in_dim3A_113 = vector.broadcast %jit3A_111 : i32 to vector<256x256xi32>
    %select_n3A_114 = arith.select %slice3A_109, %broadcast_in_dim3A_112, %broadcast_in_dim3A_113 : vector<256x256xi1>, vector<256x256xi32>
    %add3A_115 = arith.addi %add3A_108, %select_n3A_114 : vector<256x256xi32>
    %slice3A_116 = vector.extract_strided_slice %le3A_16 {offsets = [0, 3072], sizes = [256, 256], strides = [1, 1]} : vector<256x8192xi1> to vector<256x256xi1>
    %jit3A_117 = arith.constant 4096 : i32
    %jit3A_118 = arith.constant 0 : i32
    %broadcast_in_dim3A_119 = vector.broadcast %jit3A_117 : i32 to vector<256x256xi32>
    %broadcast_in_dim3A_120 = vector.broadcast %jit3A_118 : i32 to vector<256x256xi32>
    %select_n3A_121 = arith.select %slice3A_116, %broadcast_in_dim3A_119, %broadcast_in_dim3A_120 : vector<256x256xi1>, vector<256x256xi32>
    %add3A_122 = arith.addi %add3A_115, %select_n3A_121 : vector<256x256xi32>
    %slice3A_123 = vector.extract_strided_slice %le3A_16 {offsets = [0, 3328], sizes = [256, 256], strides = [1, 1]} : vector<256x8192xi1> to vector<256x256xi1>
    %jit3A_124 = arith.constant 8192 : i32
    %jit3A_125 = arith.constant 0 : i32
    %broadcast_in_dim3A_126 = vector.broadcast %jit3A_124 : i32 to vector<256x256xi32>
    %broadcast_in_dim3A_127 = vector.broadcast %jit3A_125 : i32 to vector<256x256xi32>
    %select_n3A_128 = arith.select %slice3A_123, %broadcast_in_dim3A_126, %broadcast_in_dim3A_127 : vector<256x256xi1>, vector<256x256xi32>
    %add3A_129 = arith.addi %add3A_122, %select_n3A_128 : vector<256x256xi32>
    %slice3A_130 = vector.extract_strided_slice %le3A_16 {offsets = [0, 3584], sizes = [256, 256], strides = [1, 1]} : vector<256x8192xi1> to vector<256x256xi1>
    %jit3A_131 = arith.constant 16384 : i32
    %jit3A_132 = arith.constant 0 : i32
    %broadcast_in_dim3A_133 = vector.broadcast %jit3A_131 : i32 to vector<256x256xi32>
    %broadcast_in_dim3A_134 = vector.broadcast %jit3A_132 : i32 to vector<256x256xi32>
    %select_n3A_135 = arith.select %slice3A_130, %broadcast_in_dim3A_133, %broadcast_in_dim3A_134 : vector<256x256xi1>, vector<256x256xi32>
    %add3A_136 = arith.addi %add3A_129, %select_n3A_135 : vector<256x256xi32>
    %slice3A_137 = vector.extract_strided_slice %le3A_16 {offsets = [0, 3840], sizes = [256, 256], strides = [1, 1]} : vector<256x8192xi1> to vector<256x256xi1>
    %jit3A_138 = arith.constant 32768 : i32
    %jit3A_139 = arith.constant 0 : i32
    %broadcast_in_dim3A_140 = vector.broadcast %jit3A_138 : i32 to vector<256x256xi32>
    %broadcast_in_dim3A_141 = vector.broadcast %jit3A_139 : i32 to vector<256x256xi32>
    %select_n3A_142 = arith.select %slice3A_137, %broadcast_in_dim3A_140, %broadcast_in_dim3A_141 : vector<256x256xi1>, vector<256x256xi32>
    %add3A_143 = arith.addi %add3A_136, %select_n3A_142 : vector<256x256xi32>
    %slice3A_144 = vector.extract_strided_slice %le3A_16 {offsets = [0, 4096], sizes = [256, 256], strides = [1, 1]} : vector<256x8192xi1> to vector<256x256xi1>
    %jit3A_145 = arith.constant 65536 : i32
    %jit3A_146 = arith.constant 0 : i32
    %broadcast_in_dim3A_147 = vector.broadcast %jit3A_145 : i32 to vector<256x256xi32>
    %broadcast_in_dim3A_148 = vector.broadcast %jit3A_146 : i32 to vector<256x256xi32>
    %select_n3A_149 = arith.select %slice3A_144, %broadcast_in_dim3A_147, %broadcast_in_dim3A_148 : vector<256x256xi1>, vector<256x256xi32>
    %add3A_150 = arith.addi %add3A_143, %select_n3A_149 : vector<256x256xi32>
    %slice3A_151 = vector.extract_strided_slice %le3A_16 {offsets = [0, 4352], sizes = [256, 256], strides = [1, 1]} : vector<256x8192xi1> to vector<256x256xi1>
    %jit3A_152 = arith.constant 131072 : i32
    %jit3A_153 = arith.constant 0 : i32
    %broadcast_in_dim3A_154 = vector.broadcast %jit3A_152 : i32 to vector<256x256xi32>
    %broadcast_in_dim3A_155 = vector.broadcast %jit3A_153 : i32 to vector<256x256xi32>
    %select_n3A_156 = arith.select %slice3A_151, %broadcast_in_dim3A_154, %broadcast_in_dim3A_155 : vector<256x256xi1>, vector<256x256xi32>
    %add3A_157 = arith.addi %add3A_150, %select_n3A_156 : vector<256x256xi32>
    %slice3A_158 = vector.extract_strided_slice %le3A_16 {offsets = [0, 4608], sizes = [256, 256], strides = [1, 1]} : vector<256x8192xi1> to vector<256x256xi1>
    %jit3A_159 = arith.constant 262144 : i32
    %jit3A_160 = arith.constant 0 : i32
    %broadcast_in_dim3A_161 = vector.broadcast %jit3A_159 : i32 to vector<256x256xi32>
    %broadcast_in_dim3A_162 = vector.broadcast %jit3A_160 : i32 to vector<256x256xi32>
    %select_n3A_163 = arith.select %slice3A_158, %broadcast_in_dim3A_161, %broadcast_in_dim3A_162 : vector<256x256xi1>, vector<256x256xi32>
    %add3A_164 = arith.addi %add3A_157, %select_n3A_163 : vector<256x256xi32>
    %slice3A_165 = vector.extract_strided_slice %le3A_16 {offsets = [0, 4864], sizes = [256, 256], strides = [1, 1]} : vector<256x8192xi1> to vector<256x256xi1>
    %jit3A_166 = arith.constant 524288 : i32
    %jit3A_167 = arith.constant 0 : i32
    %broadcast_in_dim3A_168 = vector.broadcast %jit3A_166 : i32 to vector<256x256xi32>
    %broadcast_in_dim3A_169 = vector.broadcast %jit3A_167 : i32 to vector<256x256xi32>
    %select_n3A_170 = arith.select %slice3A_165, %broadcast_in_dim3A_168, %broadcast_in_dim3A_169 : vector<256x256xi1>, vector<256x256xi32>
    %add3A_171 = arith.addi %add3A_164, %select_n3A_170 : vector<256x256xi32>
    %slice3A_172 = vector.extract_strided_slice %le3A_16 {offsets = [0, 5120], sizes = [256, 256], strides = [1, 1]} : vector<256x8192xi1> to vector<256x256xi1>
    %jit3A_173 = arith.constant 1048576 : i32
    %jit3A_174 = arith.constant 0 : i32
    %broadcast_in_dim3A_175 = vector.broadcast %jit3A_173 : i32 to vector<256x256xi32>
    %broadcast_in_dim3A_176 = vector.broadcast %jit3A_174 : i32 to vector<256x256xi32>
    %select_n3A_177 = arith.select %slice3A_172, %broadcast_in_dim3A_175, %broadcast_in_dim3A_176 : vector<256x256xi1>, vector<256x256xi32>
    %add3A_178 = arith.addi %add3A_171, %select_n3A_177 : vector<256x256xi32>
    %slice3A_179 = vector.extract_strided_slice %le3A_16 {offsets = [0, 5376], sizes = [256, 256], strides = [1, 1]} : vector<256x8192xi1> to vector<256x256xi1>
    %jit3A_180 = arith.constant 2097152 : i32
    %jit3A_181 = arith.constant 0 : i32
    %broadcast_in_dim3A_182 = vector.broadcast %jit3A_180 : i32 to vector<256x256xi32>
    %broadcast_in_dim3A_183 = vector.broadcast %jit3A_181 : i32 to vector<256x256xi32>
    %select_n3A_184 = arith.select %slice3A_179, %broadcast_in_dim3A_182, %broadcast_in_dim3A_183 : vector<256x256xi1>, vector<256x256xi32>
    %add3A_185 = arith.addi %add3A_178, %select_n3A_184 : vector<256x256xi32>
    %slice3A_186 = vector.extract_strided_slice %le3A_16 {offsets = [0, 5632], sizes = [256, 256], strides = [1, 1]} : vector<256x8192xi1> to vector<256x256xi1>
    %jit3A_187 = arith.constant 4194304 : i32
    %jit3A_188 = arith.constant 0 : i32
    %broadcast_in_dim3A_189 = vector.broadcast %jit3A_187 : i32 to vector<256x256xi32>
    %broadcast_in_dim3A_190 = vector.broadcast %jit3A_188 : i32 to vector<256x256xi32>
    %select_n3A_191 = arith.select %slice3A_186, %broadcast_in_dim3A_189, %broadcast_in_dim3A_190 : vector<256x256xi1>, vector<256x256xi32>
    %add3A_192 = arith.addi %add3A_185, %select_n3A_191 : vector<256x256xi32>
    %slice3A_193 = vector.extract_strided_slice %le3A_16 {offsets = [0, 5888], sizes = [256, 256], strides = [1, 1]} : vector<256x8192xi1> to vector<256x256xi1>
    %jit3A_194 = arith.constant 8388608 : i32
    %jit3A_195 = arith.constant 0 : i32
    %broadcast_in_dim3A_196 = vector.broadcast %jit3A_194 : i32 to vector<256x256xi32>
    %broadcast_in_dim3A_197 = vector.broadcast %jit3A_195 : i32 to vector<256x256xi32>
    %select_n3A_198 = arith.select %slice3A_193, %broadcast_in_dim3A_196, %broadcast_in_dim3A_197 : vector<256x256xi1>, vector<256x256xi32>
    %add3A_199 = arith.addi %add3A_192, %select_n3A_198 : vector<256x256xi32>
    %slice3A_200 = vector.extract_strided_slice %le3A_16 {offsets = [0, 6144], sizes = [256, 256], strides = [1, 1]} : vector<256x8192xi1> to vector<256x256xi1>
    %jit3A_201 = arith.constant 16777216 : i32
    %jit3A_202 = arith.constant 0 : i32
    %broadcast_in_dim3A_203 = vector.broadcast %jit3A_201 : i32 to vector<256x256xi32>
    %broadcast_in_dim3A_204 = vector.broadcast %jit3A_202 : i32 to vector<256x256xi32>
    %select_n3A_205 = arith.select %slice3A_200, %broadcast_in_dim3A_203, %broadcast_in_dim3A_204 : vector<256x256xi1>, vector<256x256xi32>
    %add3A_206 = arith.addi %add3A_199, %select_n3A_205 : vector<256x256xi32>
    %slice3A_207 = vector.extract_strided_slice %le3A_16 {offsets = [0, 6400], sizes = [256, 256], strides = [1, 1]} : vector<256x8192xi1> to vector<256x256xi1>
    %jit3A_208 = arith.constant 33554432 : i32
    %jit3A_209 = arith.constant 0 : i32
    %broadcast_in_dim3A_210 = vector.broadcast %jit3A_208 : i32 to vector<256x256xi32>
    %broadcast_in_dim3A_211 = vector.broadcast %jit3A_209 : i32 to vector<256x256xi32>
    %select_n3A_212 = arith.select %slice3A_207, %broadcast_in_dim3A_210, %broadcast_in_dim3A_211 : vector<256x256xi1>, vector<256x256xi32>
    %add3A_213 = arith.addi %add3A_206, %select_n3A_212 : vector<256x256xi32>
    %slice3A_214 = vector.extract_strided_slice %le3A_16 {offsets = [0, 6656], sizes = [256, 256], strides = [1, 1]} : vector<256x8192xi1> to vector<256x256xi1>
    %jit3A_215 = arith.constant 67108864 : i32
    %jit3A_216 = arith.constant 0 : i32
    %broadcast_in_dim3A_217 = vector.broadcast %jit3A_215 : i32 to vector<256x256xi32>
    %broadcast_in_dim3A_218 = vector.broadcast %jit3A_216 : i32 to vector<256x256xi32>
    %select_n3A_219 = arith.select %slice3A_214, %broadcast_in_dim3A_217, %broadcast_in_dim3A_218 : vector<256x256xi1>, vector<256x256xi32>
    %add3A_220 = arith.addi %add3A_213, %select_n3A_219 : vector<256x256xi32>
    %slice3A_221 = vector.extract_strided_slice %le3A_16 {offsets = [0, 6912], sizes = [256, 256], strides = [1, 1]} : vector<256x8192xi1> to vector<256x256xi1>
    %jit3A_222 = arith.constant 134217728 : i32
    %jit3A_223 = arith.constant 0 : i32
    %broadcast_in_dim3A_224 = vector.broadcast %jit3A_222 : i32 to vector<256x256xi32>
    %broadcast_in_dim3A_225 = vector.broadcast %jit3A_223 : i32 to vector<256x256xi32>
    %select_n3A_226 = arith.select %slice3A_221, %broadcast_in_dim3A_224, %broadcast_in_dim3A_225 : vector<256x256xi1>, vector<256x256xi32>
    %add3A_227 = arith.addi %add3A_220, %select_n3A_226 : vector<256x256xi32>
    %slice3A_228 = vector.extract_strided_slice %le3A_16 {offsets = [0, 7168], sizes = [256, 256], strides = [1, 1]} : vector<256x8192xi1> to vector<256x256xi1>
    %jit3A_229 = arith.constant 268435456 : i32
    %jit3A_230 = arith.constant 0 : i32
    %broadcast_in_dim3A_231 = vector.broadcast %jit3A_229 : i32 to vector<256x256xi32>
    %broadcast_in_dim3A_232 = vector.broadcast %jit3A_230 : i32 to vector<256x256xi32>
    %select_n3A_233 = arith.select %slice3A_228, %broadcast_in_dim3A_231, %broadcast_in_dim3A_232 : vector<256x256xi1>, vector<256x256xi32>
    %add3A_234 = arith.addi %add3A_227, %select_n3A_233 : vector<256x256xi32>
    %slice3A_235 = vector.extract_strided_slice %le3A_16 {offsets = [0, 7424], sizes = [256, 256], strides = [1, 1]} : vector<256x8192xi1> to vector<256x256xi1>
    %jit3A_236 = arith.constant 536870912 : i32
    %jit3A_237 = arith.constant 0 : i32
    %broadcast_in_dim3A_238 = vector.broadcast %jit3A_236 : i32 to vector<256x256xi32>
    %broadcast_in_dim3A_239 = vector.broadcast %jit3A_237 : i32 to vector<256x256xi32>
    %select_n3A_240 = arith.select %slice3A_235, %broadcast_in_dim3A_238, %broadcast_in_dim3A_239 : vector<256x256xi1>, vector<256x256xi32>
    %add3A_241 = arith.addi %add3A_234, %select_n3A_240 : vector<256x256xi32>
    %slice3A_242 = vector.extract_strided_slice %le3A_16 {offsets = [0, 7680], sizes = [256, 256], strides = [1, 1]} : vector<256x8192xi1> to vector<256x256xi1>
    %jit3A_243 = arith.constant 1073741824 : i32
    %jit3A_244 = arith.constant 0 : i32
    %broadcast_in_dim3A_245 = vector.broadcast %jit3A_243 : i32 to vector<256x256xi32>
    %broadcast_in_dim3A_246 = vector.broadcast %jit3A_244 : i32 to vector<256x256xi32>
    %select_n3A_247 = arith.select %slice3A_242, %broadcast_in_dim3A_245, %broadcast_in_dim3A_246 : vector<256x256xi1>, vector<256x256xi32>
    %add3A_248 = arith.addi %add3A_241, %select_n3A_247 : vector<256x256xi32>
    %slice3A_249 = vector.extract_strided_slice %le3A_16 {offsets = [0, 7936], sizes = [256, 256], strides = [1, 1]} : vector<256x8192xi1> to vector<256x256xi1>
    %jit3A_250 = arith.constant -2147483648 : i32
    %jit3A_251 = arith.constant 0 : i32
    %broadcast_in_dim3A_252 = vector.broadcast %jit3A_250 : i32 to vector<256x256xi32>
    %broadcast_in_dim3A_253 = vector.broadcast %jit3A_251 : i32 to vector<256x256xi32>
    %select_n3A_254 = arith.select %slice3A_249, %broadcast_in_dim3A_252, %broadcast_in_dim3A_253 : vector<256x256xi1>, vector<256x256xi32>
    %add3A_255 = arith.addi %add3A_248, %select_n3A_254 : vector<256x256xi32>
    %swap3A_256 = arith.constant 0 : index
    %swap3A_257 = arith.constant 0 : index
    %swap3A_258 = vector.load %arg5[%swap3A_256, %swap3A_257] : memref<256x256xi32, #tpu.memory_space<vmem>>, vector<256x256xi32>
    tpu.vector_store %arg5[%swap3A_256, %swap3A_257], %add3A_255 {strides = array<i32>} : memref<256x256xi32, #tpu.memory_space<vmem>>, vector<256x256xi32>,
    return
  }
  func.func @transform_0(%arg0: i32) -> (i32, i32) {
    %c0_i32 = arith.constant 0 : i32
    %c0_i32_0 = arith.constant 0 : i32
    return %arg0, %c0_i32 : i32, i32
  }
  func.func @transform_1(%arg0: i32) -> (i32, i32) {
    %c0_i32 = arith.constant 0 : i32
    %c0_i32_0 = arith.constant 0 : i32
    %c0_i32_1 = arith.constant 0 : i32
    return %c0_i32, %c0_i32_0 : i32, i32
  }
  func.func @transform_2(%arg0: i32) -> (i32, i32) {
    %c0_i32 = arith.constant 0 : i32
    %c0_i32_0 = arith.constant 0 : i32
    %c0_i32_1 = arith.constant 0 : i32
    return %c0_i32, %c0_i32_0 : i32, i32
  }
  func.func @transform_3(%arg0: i32) -> (i32, i32) {
    %c0_i32 = arith.constant 0 : i32
    %c0_i32_0 = arith.constant 0 : i32
    return %arg0, %c0_i32 : i32, i32
  }
  func.func @transform_4(%arg0: i32) -> (i32, i32) {
    %c0_i32 = arith.constant 0 : i32
    %c0_i32_0 = arith.constant 0 : i32
    return %arg0, %c0_i32 : i32, i32
  }
  func.func @transform_5(%arg0: i32) -> (i32, i32) {
    %c0_i32 = arith.constant 0 : i32
    %c0_i32_0 = arith.constant 0 : i32
    return %arg0, %c0_i32 : i32, i32
  }
}

module attributes {stable_mosaic.version = 14 : i64} {
  func.func @_offsets_kernel(%arg0: memref<16x128xi32, #tpu.memory_space<vmem>>, %arg1: memref<17x128xi32, #tpu.memory_space<vmem>>) attributes {dimension_semantics = [], scalar_prefetch = 0 : i64, scratch_operands = 0 : i64, tpu.core_type = #tpu.core_type<tc>} {
    %get3A = arith.constant 0 : index
    %get3A_0 = arith.constant 0 : index
    %get3A_1 = vector.load %arg0[%get3A, %get3A_0] : memref<16x128xi32, #tpu.memory_space<vmem>>, vector<16x128xi32>
    %convert_element_type3A = arith.sitofp %get3A_1 : vector<16x128xi32> to vector<16x128xf32>
    %iota3A = tpu.iota {dimensions = array<i32: 0>} : vector<128x128xi32>
    %iota3A_2 = tpu.iota {dimensions = array<i32: 1>} : vector<128x128xi32>
    %le3A = arith.cmpi sle, %iota3A, %iota3A_2 : vector<128x128xi32>
    %convert_element_type3A_3 = arith.extui %le3A : vector<128x128xi1> to vector<128x128xi32>
    %convert_element_type3A_4 = arith.sitofp %convert_element_type3A_3 : vector<128x128xi32> to vector<128x128xf32>
    %dot_general3A = arith.constant dense<0.000000e+00> : vector<16x128xf32>
    %dot_general3A_5 = tpu.matmul %convert_element_type3A, %convert_element_type3A_4, %dot_general3A {dimension_numbers = #tpu.dot_dimension_numbers<[1], [0], [0], [1], [0, 0, 1, 1], [], []>, precision = #tpu.contract_precision<fp32>, transpose_lhs_hint = false} : vector<16x128xf32>, vector<128x128xf32>, vector<16x128xf32> -> vector<16x128xf32>
    %iota3A_6 = tpu.iota {dimensions = array<i32: 0>} : vector<16x16xi32>
    %iota3A_7 = tpu.iota {dimensions = array<i32: 1>} : vector<16x16xi32>
    %lt3A = arith.cmpi slt, %iota3A_7, %iota3A_6 : vector<16x16xi32>
    %convert_element_type3A_8 = arith.extui %lt3A : vector<16x16xi1> to vector<16x16xi32>
    %convert_element_type3A_9 = arith.sitofp %convert_element_type3A_8 : vector<16x16xi32> to vector<16x16xf32>
    %slice3A = vector.extract_strided_slice %dot_general3A_5 {offsets = [0, 127], sizes = [16, 1], strides = [1, 1]} : vector<16x128xf32> to vector<16x1xf32>
    %dot_general3A_10 = arith.constant dense<0.000000e+00> : vector<16x1xf32>
    %dot_general3A_11 = tpu.matmul %convert_element_type3A_9, %slice3A, %dot_general3A_10 {dimension_numbers = #tpu.dot_dimension_numbers<[1], [0], [0], [1], [0, 0, 1, 1], [], []>, precision = #tpu.contract_precision<fp32>, transpose_lhs_hint = false} : vector<16x16xf32>, vector<16x1xf32>, vector<16x1xf32> -> vector<16x1xf32>
    %add3A = vector.broadcast %dot_general3A_11 : vector<16x1xf32> to vector<16x128xf32>
    %add3A_12 = arith.addf %add3A, %dot_general3A_5 : vector<16x128xf32>
    %sub3A = arith.subf %add3A_12, %convert_element_type3A : vector<16x128xf32>
    %convert_element_type3A_13 = arith.fptosi %sub3A : vector<16x128xf32> to vector<16x128xi32>
    %swap3A = arith.constant 0 : index
    %swap3A_14 = arith.constant 0 : index
    %swap3A_15 = vector.load %arg1[%swap3A, %swap3A_14] : memref<17x128xi32, #tpu.memory_space<vmem>>, vector<16x128xi32>
    tpu.vector_store %arg1[%swap3A, %swap3A_14], %convert_element_type3A_13 {strides = array<i32>} : memref<17x128xi32, #tpu.memory_space<vmem>>, vector<16x128xi32>,
    %slice3A_16 = vector.extract_strided_slice %dot_general3A_11 {offsets = [15, 0], sizes = [1, 1], strides = [1, 1]} : vector<16x1xf32> to vector<1x1xf32>
    %slice3A_17 = vector.extract_strided_slice %dot_general3A_5 {offsets = [15, 127], sizes = [1, 1], strides = [1, 1]} : vector<16x128xf32> to vector<1x1xf32>
    %add3A_18 = arith.addf %slice3A_16, %slice3A_17 : vector<1x1xf32>
    %broadcast_in_dim3A = vector.shape_cast %add3A_18 : vector<1x1xf32> to vector<1x1xf32>
    %broadcast_in_dim3A_19 = vector.broadcast %broadcast_in_dim3A : vector<1x1xf32> to vector<1x128xf32>
    %convert_element_type3A_20 = arith.fptosi %broadcast_in_dim3A_19 : vector<1x128xf32> to vector<1x128xi32>
    %swap3A_21 = arith.constant 16 : index
    %swap3A_22 = arith.constant 0 : index
    %swap3A_23 = vector.load %arg1[%swap3A_21, %swap3A_22] : memref<17x128xi32, #tpu.memory_space<vmem>>, vector<1x128xi32>
    tpu.vector_store %arg1[%swap3A_21, %swap3A_22], %convert_element_type3A_20 {strides = array<i32>} : memref<17x128xi32, #tpu.memory_space<vmem>>, vector<1x128xi32>,
    return
  }
}

</mosaic_0001>

<sc_bundles>
// kernel: kernel.10.cloned.1.call-start
scs
__scs_entry_jumppad:
0x0: {  	(pc) =	sbr.rel $0x88, $3  }
0x1: {  	(tag) =	ssettag $0x0;
	lr =	simm.s32 $0x1  }
0x2: {  	[smem:$0x3F9F] =	sst lr;
	_ =	strace $0xD0000000  }
0x3: {  	_ = 	snop  }
0x4: {  	_ = 	snop  }
0x5: {  	_ = 	snop  }
0x6: {  	_ = 	snop  }
0x7: {  	_ = 	snop  }
__scs_overlays_trampoline_lowered:
0x8: {  	[smem:$0x3FAE] =	sst s0  }
0x9: {  	[smem:$0x3FAF] =	sst s1  }
0xa: {  	[smem:$0x3FB0] =	sst s2  }
0xb: {  	[smem:$0x3FB1] =	sst s3  }
0xc: {  	[smem:$0x3FB2] =	sst s4  }
0xd: {  	[smem:$0x3FB3] =	sst s5  }
0xe: {  	[smem:$0x3FB4] =	sst s6  }
0xf: {  	[smem:$0x3FB5] =	sst s7  }
0x10: {  	[smem:$0x3FB6] =	sst s8  }
0x11: {  	[smem:$0x3FB7] =	sst s9;
	s0 =	simm.s32 @!p0 $0x0  }
0x12: {  	s1 =	sld [smem:$0x3F9D];
	s0 =	simm.s32 @p0 $0x1  }
0x13: {  	[smem:$0x3FB8] =	sst s0;
	s0 =	simm.s32 @!p1 $0x0  }
0x14: {  	s2 =	sld [smem:$0x3F9C];
	s0 =	simm.s32 @p1 $0x1  }
0x15: {  	[smem:$0x3FB9] =	sst s0;
	s0 =	simm.s32 @!p2 $0x0  }
0x16: {  	s3 =	sld [smem:$0x3FDB];
	s0 =	simm.s32 @p2 $0x1  }
0x17: {  	s4 =	simm.s32 $0x1BF5;
	[smem:$0x3FBB] =	sst s0  }
0x18: {  	s0 =	sld [smem:$0x3F9E];
	_ =	swait.ge [sflag:s4], $0x0  }
0x19: {  	s7 =	sld [smem:$0x3F9F]  }
0x1a: {  	s8 =	sadd.s32 $0xFFFFE003, lr  }
0x1b: {  	s9 =	sadd.s32 $0xFFFFFEF7, lr;
	s5 =	simm.s32 $0xFFFFFFFF;
	p2 =	slt.u32 s8, $0xFFFFF086  }
0x1c: {  	p1 =	slt.u32 s9, $0xF7A;
	s5 =	simm.s32 @!p2 $0x0  }
0x1d: {  	s5 =	simm.s32 @p1 $0x1;
	p0 =	seq.s32 s7, s2  }
0x1e: {  	s7 =	smul.u32 @!p0 $0xF7A, s2;
	p2 =	seq.s32 @!p0 s5, $0x0  }
0x1f: {  	s9 =	smul.u32 $0xF7A, s1;
	s8 =	simm.s32 @!p0 $0x1BF5;
	p2 =	por !p2, p0  }
0x20: {  	[sflag:s8] =	ssyncset.s32 @!p0 $0xFFFFF086;
	s6 =	sadd.s32 @!p0 s3, s7;
	s7 =	simm.s32 @!p0 $0x108  }
0x21: {  	s3 =	sadd.s32 s3, s9;
	s6 =	sadd.s32 @!p0 $0x88, s6;
	s7 =	simm.s32 @p2 $0x1082  }
0x22: {  	[simem:s7], [sflag:s8] =	dma.local @!p0 [hbm:s6], $0xF7A  }
0x23: {  	s9 =	sor.u32 $0xD0000000, s2;
	s6 =	simm.s32 $0x108;
	_ =	swait.ge @!p0 [sflag:s8], $0x0  }
0x24: {  	s3 =	sadd.s32 $0x88, s3;
	s6 =	simm.s32 @!p1 $0x1082;
	[sflag:s4] =	ssyncset.s32 $0xFFFFF086  }
0x25: {  	[simem:s6], [sflag:s4] =	dma.local [hbm:s3], $0xF7A  }
0x26: {  	[smem:$0x3F9F] =	sst s1;
	(tag) =	ssettag s2;
	_ =	strace s9  }
0x27: {  	s1 =	sld [smem:$0x3FAF]  }
0x28: {  	s2 =	sld [smem:$0x3FB0]  }
0x29: {  	s4 =	sld [smem:$0x3FB2]  }
0x2a: {  	p0 =	seq.s32 s5, $0x0;
	s5 =	sld [smem:$0x3FB3]  }
0x2b: {  	s6 =	sld [smem:$0x3FB4]  }
0x2c: {  	s7 =	sld [smem:$0x3FB5]  }
0x2d: {  	s3 =	simm.s32 $0x108;
	s8 =	sld [smem:$0x3FB6]  }
0x2e: {  	s3 =	simm.s32 @!p0 $0x1082;
	s9 =	sld [smem:$0x3FB7]  }
0x2f: {  	lr =	sadd.s32 s0, s3;
	s0 =	sld [smem:$0x3FAE]  }
0x30: {  	s3 =	sld [smem:$0x3FB1]  }
0x31: {  	[smem:$0x3FBA] =	sst s10  }
0x32: {  	s10 =	sld [smem:$0x3FB8];
	_ =	sdelay $0x3  }
0x33: {  	p0 =	seq.s32 s10, $0x1;
	s10 =	sld [smem:$0x3FBA];
	_ =	sdelay $0x3  }
0x34: {  	[smem:$0x3FBA] =	sst s10  }
0x35: {  	s10 =	sld [smem:$0x3FB9];
	_ =	sdelay $0x3  }
0x36: {  	p1 =	seq.s32 s10, $0x1;
	s10 =	sld [smem:$0x3FBA];
	_ =	sdelay $0x3  }
0x37: {  	[smem:$0x3FBA] =	sst s10  }
0x38: {  	s10 =	sld [smem:$0x3FBB]  }
0x39: {  	_ = 	snop;
	(pc) =	sbr.ind lr, $3  }
0x3a: {  	_ = 	snop  }
0x3b: {  	_ = 	snop  }
0x3c: {  	p2 =	seq.s32 s10, $0x1;
	s10 =	sld [smem:$0x3FBA]  }
0x3d: {  	_ =	shalt  }
0x3e: {  	_ =	shalt  }
0x3f: {  	_ =	shalt  }
0x40: {  	_ =	shalt  }
0x41: {  	_ =	shalt  }
0x42: {  	_ =	shalt  }
0x43: {  	_ =	shalt  }
0x44: {  	_ =	shalt  }
0x45: {  	_ =	shalt  }
0x46: {  	_ =	shalt  }
0x47: {  	_ =	shalt  }
0x48: {  	_ =	shalt  }
0x49: {  	_ =	shalt  }
0x4a: {  	_ =	shalt  }
0x4b: {  	_ =	shalt  }
0x4c: {  	_ =	shalt  }
0x4d: {  	_ =	shalt  }
0x4e: {  	_ =	shalt  }
0x4f: {  	_ =	shalt  }
0x50: {  	_ =	shalt  }
0x51: {  	_ =	shalt  }
0x52: {  	_ =	shalt  }
0x53: {  	_ =	shalt  }
0x54: {  	_ =	shalt  }
0x55: {  	_ =	shalt  }
0x56: {  	_ =	shalt  }
0x57: {  	_ =	shalt  }
0x58: {  	_ =	shalt  }
0x59: {  	_ =	shalt  }
0x5a: {  	_ =	shalt  }
0x5b: {  	_ =	shalt  }
0x5c: {  	_ =	shalt  }
0x5d: {  	_ =	shalt  }
0x5e: {  	_ =	shalt  }
0x5f: {  	_ =	shalt  }
0x60: {  	_ =	shalt  }
0x61: {  	_ =	shalt  }
0x62: {  	_ =	shalt  }
0x63: {  	_ =	shalt  }
0x64: {  	_ =	shalt  }
0x65: {  	_ =	shalt  }
0x66: {  	_ =	shalt  }
0x67: {  	_ =	shalt  }
0x68: {  	_ =	shalt  }
0x69: {  	_ =	shalt  }
0x6a: {  	_ =	shalt  }
0x6b: {  	_ =	shalt  }
0x6c: {  	_ =	shalt  }
0x6d: {  	_ =	shalt  }
0x6e: {  	_ =	shalt  }
0x6f: {  	_ =	shalt  }
0x70: {  	_ =	shalt  }
0x71: {  	_ =	shalt  }
0x72: {  	_ =	shalt  }
0x73: {  	_ =	shalt  }
0x74: {  	_ =	shalt  }
0x75: {  	_ =	shalt  }
0x76: {  	_ =	shalt  }
0x77: {  	_ =	shalt  }
0x78: {  	_ =	shalt  }
0x79: {  	_ =	shalt  }
0x7a: {  	_ =	shalt  }
0x7b: {  	_ =	shalt  }
0x7c: {  	_ =	shalt  }
0x7d: {  	_ =	shalt  }
0x7e: {  	_ =	shalt  }
0x7f: {  	_ =	shalt  }
0x80: {  	_ =	shalt  }
0x81: {  	_ =	shalt  }
0x82: {  	_ =	shalt  }
0x83: {  	_ =	shalt  }
0x84: {  	_ =	shalt  }
0x85: {  	_ =	shalt  }
0x86: {  	_ =	shalt  }
0x87: {  	_ =	shalt  }
.Lfunc_end0:
.L_simem_size_0:
called_computation.1_lowered:
.L_overlay_start_0:
0x88: {  	s2 =	sld [smem:$0x3FD9]  }
0x89: {  	s3 =	sld [smem:$0x3FFE];
	_ =	sdelay $0x1  }
0x8a: {  	s1 =	srdreg.scid  }
0x8b: {  	s0 =	sand.u32 $0x1, s1  }
0x8c: {  	s14 =	sshll.u32 s0, $0xA;
	s2 =	sadd.s32 s3, s2  }
0x8d: {  	s2 =	sadd.s32 s2, s14  }
0x8e: {  	[smem:$0x3FC6] =	sst s2  }
0x8f: {  	_ = 	snop  }
0x90: {  	s2 =	sld [smem:$0x3FD0];
	_ =	sdelay $0x2  }
0x91: {  	s15 =	simm.s32 $0xA;
	s4 =	simm.s32 $0x10  }
0x92: {  	[smem:s4], [sflag:s15] =	dma.local [hbm:s2], $0x1  }
0x93: {  	_ =	swait.eq [sflag:s15], $0x1  }
0x94: {  	[sflag:s15] =	ssyncset.done $0x0  }
0x95: {  	[sflag:s15] =	ssyncadd.s32 $0xFFFFFFFF  }
0x96: {  	s16 =	sld [smem:$0x10];
	(tm) =	ssettm $0x1  }
0x97: {  	s17 =	sld [smem:$0x3FFB];
	_ =	sdelay $0x3  }
0x98: {  	_ =	strace s17  }
0x99: {  	s3 =	sld [smem:$0x3FFC];
	_ =	sdelay $0x3  }
0x9a: {  	_ =	strace s3  }
0x9b: {  	s3 =	sld [smem:$0x3FFD];
	_ =	sdelay $0x3  }
0x9c: {  	_ =	strace s3  }
0x9d: {  	_ =	strace $0x8FFFFFFF  }
0x9e: {  	s18 =	sld [smem:$0x3FDB];
	_ =	sdelay $0x1  }
0x9f: {  	s19 =	simm.s32 $_scs_section_size  }
0xa0: {  	s5 =	simm.s32 $_size__tile_overlayer_lowered;
	s6 =	simm.s32 $_tile_overlayer_lowered  }
0xa1: {  	s22 =	simm.s32 $0x1BFF;
	s21 =	sshll.u32 s6, $0x1;
	s3 =	sadd.s32 s19, s18  }
0xa2: {  	s7 =	simm.s32 $0x0;
	s20 =	sshll.u32 s5, $0x1;
	s5 =	sadd.s32 s21, s3  }
0xa3: {  	[timem:s7], [sflag:s22] =	dma.local [hbm:s5], s20  }
0xa4: {  	_ =	swait.ge [sflag:s22], s20  }
0xa5: {  	s4 =	ssub.s32 $0x0, s20;
	[sflag:s22] =	ssyncset.done $0x0  }
0xa6: {  	[sflag:s22] =	ssyncadd.s32 s4;
	_ =	sdelay $0x1  }
0xa7: {  	s23 =	simm.s32 $0x1B8B  }
0xa8: {  	_ =	swait.ge [sflag:s23], $0x1  }
0xa9: {  	[sflag:s23] =	ssyncset.done $0x0  }
0xaa: {  	s25 =	simm.s32 $0x1B8E;
	s24 =	sld [smem:$0x3FFE];
	[sflag:s23] =	ssyncadd.s32 $0xFFFFFFFF  }
0xab: {  	s26 =	simm.s32 $execute0_lowered;
	[smem:$0x3FD2] =	sst s25  }
0xac: {  	s5 =	sshll.u32 s26, $0x1;
	_ =	strace $0x80000049;
	[dreg:$0x1] =	wrdreg $0xFFFFFFFF  }
0xad: {  	s28 =	simm.s32 $_size_execute0_lowered;
	s3 =	sadd.s32 s3, s5;
	[dreg:$0x0] =	wrdreg $0x0  }
0xae: {  	s5 =	sshll.u32 s28, $0x1;
	[dreg:$0x2] =	wrdreg s3  }
0xaf: {  	[dreg:$0x3] =	wrdreg s5  }
0xb0: {  	[dreg:$0x4] =	wrdreg $0xC0  }
0xb1: {  	_ =	task [dreg:s7], $0x5FFFF  }
0xb2: {  	[dreg:$0x1] =	wrdreg $0xFFFFFFFF  }
0xb3: {  	[dreg:$0x0] =	wrdreg $0x60  }
0xb4: {  	[dreg:$0x2] =	wrdreg s24  }
0xb5: {  	[dreg:$0x3] =	wrdreg s16  }
0xb6: {  	[dreg:$0x4] =	wrdreg $0x9  }
0xb7: {  	_ =	task.clear_ibuf [dreg:s7], $0x5FFFF;
	_ =	strace $0x90000049  }
0xb8: {  	s29 =	simm.s32 $0x9;
	_ =	strace $0x8000004B  }
0xb9: {  	_ =	swait.ge [sflag:s29], $0x1  }
0xba: {  	[sflag:s29] =	ssyncadd.s32 $0xFFFFFFFF  }
0xbb: {  	_ =	strace $0x9000004B  }
0xbc: {  	_ =	sfence  }
0xbd: {  	s30 =	sld [smem:$0x0];
	_ =	sdelay $0x2  }
0xbe: {  	s31 =	sshll.u32 s1, $0xD;
	s1 =	sshrl.u32 s1, $0x2  }
0xbf: {  	s3 =	sand.u32 $0x4000, s31;
	s1 =	sadd.s32 s1, s30  }
0xc0: {  	s0 =	sor.u32 s3, s0;
	s1 =	sshll.u32 s1, $0x11  }
0xc1: {  	s0 =	sor.u32 s1, s0  }
0xc2: {  	s0 =	sadd.s32 $0x8F2B, s0  }
0xc3: {  	[sflag:s0] =	ssyncadd.remote.s32 $0x1  }
0xc4: {  	_ =	sfence.sel $0xFFFF  }
0xc5: {  	[dreg:$0x0] =	wrdreg $0xFFFFFFFF;
	(pc) =	sbr.abs _section_cstart, $3  }
0xc6: {  	[dreg:$0x1] =	wrdreg $0xFFFFFFFF  }
0xc7: {  	_ =	task.clear_ibuf [dreg:s7], $0x2FFFF;
	_ =	strace $0x9FFFFFFF  }
0xc8: {  	(tm) =	ssettm $0x7FFFFFFF  }
0xc9: {  	_ =	shalt  }
tec
execute0_lowered:
.L_overlay_start_1:
0x0: {  	(tag) =	ssettag $0x1  }
0x1: {  	s4 =	rddreg [dreg:$0x0]  }
0x2: {  	s2 =	rddreg [dreg:$0x1];
	s3 =	srdreg.scid  }
0x3: {  	s0 =	rddreg [dreg:$0x2];
	s1 =	stileid.u32;
	s10 =	simm.s32 $0x5000  }
0x4: {  	s11 =	simm.s32 $0x80;
	s12 =	simm.s32 $0x400;
	s13 =	simm.s32 $0x1  }
0x5: {  	s14 =	simm.s32 $0x2;
	s15 =	simm.s32 $0x3000;
	s16 =	simm.s32 $0x0  }
0x6: {  	s5 =	sand.u32 $0x1, s3;
	s3 =	simm.s32 $0x0;
	s6 =	sshll.u32 s1, $0x6  }
0x7: {  	s7 =	sshll.u32 s5, $0x5;
	[smem:$0x7FF] =	sst s3;
	s5 =	ssub.s32 $0x2, s5  }
.Ltmp0:
0x8: {  	s7 =	sor.u32 s7, s6;
	_ =	strace $0x8000004A;
	(pc) =	sbr.rel .LBB2_1-.Ltmp0, $4  }
0x9: {  	s9 =	sshrl.u32 s5, $0x1;
	s6 =	sshll.u32 s7, $0x5;
	s8 =	sshll.u32 s7, $0x4  }
0xa: {  	s7 =	sor.u32 $0x400, s7;
	s6 =	sadd.s32 s6, s4;
	s8 =	sadd.s32 s8, s4  }
0xb: {  	s9 =	ssub.s32 s5, s9;
	s4 =	sadd.s32 $0x204E00, s6;
	s5 =	sadd.s32 $0x20CE00, s8  }
0xc: {  	s6 =	smax.u32 s9, $0x1;
	s8 =	simm.s32 $0x3;
	s9 =	simm.s32 $0x2000  }
.LBB2_10:
0xd: {  	s16 =	sadd.s32 $0x1, s16  }
0xe: {  	_ =	swait.ge [sflag:s13], $0x2000;
	p0 =	sne.s32 s16, s6  }
.Ltmp1:
0xf: {  	[sflag:s13] =	ssyncset.done $0x0;
	(pc) =	sbr.rel @!p0 .LBB2_11-.Ltmp1, $4  }
0x10: {  	[sflag:s13] =	ssyncadd.s32 $0xFFFFE000  }
0x11: {  	_ =	swait.ge [sflag:s14], $0x2000  }
0x12: {  	[sflag:s14] =	ssyncset.done $0x0  }
0x13: {  	[sflag:s14] =	ssyncadd.s32 $0xFFFFE000  }
.LBB2_1:
0x14: {  	[tilespmem:s3], [sflag:$0x3] =	stream.linear.gather [hbm4b:s4+s3], $0x2000, $0x38;
	[tilespmem:$0x7000] =	vst v63  }
0x15: {  	_ =	swait.ge [sflag:s8], $0x2000  }
0x16: {  	[sflag:s8] =	ssyncset.done $0x0  }
.Ltmp2:
0x17: {  	[sflag:s8] =	ssyncadd.s32 $0xFFFFE000;
	(pc) =	sbr.rel .LBB2_2-.Ltmp2, $4  }
0x18: {  	[tilespmem:s9], [sflag:$0x3] =	stream.linear.gather [hbm4b:s5+s3], $0x1000, $0x38;
	[tilespmem:$0x7000] =	vst v63  }
0x19: {  	_ =	swait.ge [sflag:s8], $0x1000  }
0x1a: {  	[sflag:s8] =	ssyncset.done $0x0  }
0x1b: {  	s17 =	simm.s32 $0x0;
	[sflag:s8] =	ssyncadd.s32 $0xFFFFF000  }
.LBB2_9:
0x1c: {  	s17 =	sadd.s32 $0x1, s17  }
0x1d: {  	p0 =	sne.s32 s17, $0x20  }
.Ltmp3:
0x1e: {  	_ = 	snop;
	(pc) =	sbr.rel @!p0 .LBB2_10-.Ltmp3, $1  }
0x1f: {  	_ =	sdelay $0x3  }
.LBB2_2:
0x20: {  	s19 =	sand.u32 $0x1, s17  }
0x21: {  	p0 =	seq.s32 s19, $0x1  }
.Ltmp4:
0x22: {  	_ = 	snop;
	(pc) =	sbr.rel @p0 .LBB2_6-.Ltmp4, $2  }
0x23: {  	_ =	sdelay $0x2  }
0x24: {  	s18 =	sor.u32 s7, s17  }
0x25: {  	s20 =	sshll.u32 s17, $0x7;
	s21 =	sshll.u32 s17, $0x8  }
0x26: {  	s21 =	sand.u32 $0x1800, s21;
	s22 =	sand.u32 $0x300, s20  }
0x27: {  	p0 =	slt.u32 s17, $0x2;
	s21 =	sor.u32 s22, s21  }
0x28: {  	v1 =	vmov s21;
	s21 =	simm.s32 @!p0 $0x1  }
0x29: {  	_ =	swait.ge @!p0 [sflag:s21], $0x2000  }
0x2a: {  	[sflag:s21] =	ssyncset.done @!p0 $0x0  }
0x2b: {  	s26 =	simm.s32 $0x0;
	s20 =	sand.u32 $0x3FFFFF80, s20;
	[sflag:s21] =	ssyncadd.s32 @!p0 $0xFFFFE000  }
0x2c: {  	s28 =	sand.u32 $0x400, s26;
	v2 =	vld [tilespmem:s20+$0x2000]  }
0x2d: {  	v3 =	vld.idx.msk [tilespmem:v1+s28+$0x30 ss:$0x1], $0xffff  }
0x2e: {  	v4 =	vld.idx.msk [tilespmem:v1+s28+$0x40 ss:$0x1], $0xffff  }
0x2f: {  	v5 =	vld.idx.msk [tilespmem:v1+s28+$0x50 ss:$0x1], $0xffff  }
0x30: {  	v6 =	vld.idx.msk [tilespmem:v1+s28+$0x60 ss:$0x1], $0xffff  }
0x31: {  	v7 =	vld.idx.msk [tilespmem:v1+s28+$0x70 ss:$0x1], $0xffff  }
0x32: {  	v8 =	vld.idx.msk [tilespmem:v1+s28+$0x20 ss:$0x1], $0xffff  }
0x33: {  	v9 =	vld.idx.msk [tilespmem:v1+s28+$0x10 ss:$0x1], $0xffff  }
0x34: {  	v10 =	vld.idx.msk [tilespmem:v1+s28+$0x0 ss:$0x1], $0xffff  }
0x35: {  	v0 =	vlaneseq.u32;
	s29 =	simm.s32 $0x0  }
0x36: {  	v12 =	vimm.s32 $0xFFFFFFFF;
	v11 =	vadd.s32 v0, v2;
	v2 =	vshrl.u32 v3, s29  }
0x37: {  	v3 =	vshrl.u32 v4, s29;
	v4 =	vshrl.u32 v5, s29;
	v5 =	vshrl.u32 v6, s29  }
0x38: {  	v6 =	vshrl.u32 v9, s29;
	v8 =	vshrl.u32 v8, s29;
	v7 =	vshrl.u32 v7, s29  }
0x39: {  	v9 =	vshrl.u32 v10, s29;
	v2 =	vand.u32 $0x1, v2;
	v3 =	vand.u32 $0x1, v3  }
0x3a: {  	v4 =	vand.u32 $0x1, v4;
	v5 =	vand.u32 $0x1, v5;
	v7 =	vand.u32 $0x1, v7  }
0x3b: {  	v9 =	vand.u32 $0x1, v9;
	v6 =	vand.u32 $0x1, v6;
	v8 =	vand.u32 $0x1, v8;
	(xrf0) =	vadd.scan.msk.s32 $0xffff, v2  }
0x3c: {  	vm0 =	veq.s32 v9, $0x1;
	vm1 =	veq.s32 v5, $0x1;
	vm2 =	veq.s32 v7, $0x1;
	(xrf0) =	vadd.scan.msk.s32 $0xffff, v3  }
0x3d: {  	vm4 =	veq.s32 v6, $0x1;
	vm6 =	veq.s32 v8, $0x1;
	vm3 =	veq.s32 v3, $0x1;
	(xrf0) =	vadd.scan.msk.s32 $0xffff, v6  }
0x3e: {  	vm7 =	veq.s32 v2, $0x1;
	v10 =	vmpcnt.ones.xlane vm0;
	v3 =	vmpcnt.ones.xlane vm6;
	(xrf0) =	vadd.scan.msk.s32 $0xffff, v8  }
0x3f: {  	vm5 =	veq.s32 v4, $0x1;
	v2 =	vmpcnt.ones.xlane vm7;
	v6 =	vmpcnt.ones.xlane vm4;
	(xrf0) =	vadd.scan.msk.s32 $0xffff, v4  }
0x40: {  	v13 =	vmpcnt.ones.xlane vm3;
	v4 =	vsub.s32 v11, v10;
	(xrf0) =	vadd.scan.msk.s32 $0xffff, v5;
	v5 =	vadd.s32 v12, v10  }
0x41: {  	v19 =	vmpcnt.ones.xlane vm1;
	v8 =	vsub.s32 v4, v6;
	v6 =	vadd.s32 v5, v6  }
0x42: {  	v22 =	vmpcnt.ones.xlane vm2;
	v10, _, _ =	vpop (xrf0);
	(xrf0) =	vadd.scan.msk.s32 $0xffff, v7;
	v7 =	vsub.s32 v8, v3;
	v15 =	vadd.s32 v6, v3  }
0x43: {  	v14, _, _ =	vpop (xrf0);
	v16 =	vsub.s32 v7, v2;
	v3 =	vmpcnt.ones.xlane vm5;
	v7 =	vsub.s32 v7, v10  }
0x44: {  	v18 =	vadd.s32 v15, v2;
	v2 =	vsub.s32 v16, v13;
	v16 =	vsub.s32 v16, v14  }
0x45: {  	v17, _, _ =	vpop (xrf0);
	v7 =	vadd.s32 $0x30, v7;
	v10 =	vadd.s32 v15, v10;
	v13 =	vadd.s32 v18, v13  }
0x46: {  	s30 =	simm.s32 $0x400;
	v21 =	vsub.s32 v2, v3;
	v4 =	vsub.s32 v4, v17;
	v16 =	vadd.s32 $0x40, v16  }
0x47: {  	s20 =	sand.u32 $0x400, s30;
	v20, _, _ =	vpop (xrf0);
	v5 =	vadd.s32 v5, v17;
	v14 =	vadd.s32 v18, v14;
	v7 =	vsel vm7, v10, v7  }
0x48: {  	v28 =	vld.idx.msk [tilespmem:v1+s20+$0x50 ss:$0x1], $0xffff;
	v23, _, _ =	vpop (xrf0);
	v24 =	vadd.s32 v13, v3;
	v8 =	vsub.s32 v8, v20;
	v4 =	vadd.s32 $0x10, v4  }
0x49: {  	(xrf0) =	vadd.scan.msk.s32 $0xffff, v9;
	v6 =	vadd.s32 v6, v20;
	v9 =	vsub.s32 v2, v23;
	v2 =	vsub.s32 v21, v19  }
0x4a: {  	v17 =	vld.idx.msk [tilespmem:v1+s20+$0x70 ss:$0x1], $0xffff;
	v25, _, _ =	vpop (xrf0);
	v19 =	vadd.s32 v24, v19;
	v8 =	vadd.s32 $0x20, v8;
	v13 =	vadd.s32 v13, v23  }
0x4b: {  	v18 =	vld.idx.msk [tilespmem:v1+s20+$0x20 ss:$0x1], $0xffff;
	v4 =	vsel vm4, v5, v4;
	v21 =	vsub.s32 v21, v25;
	v3 =	vsub.s32 v2, v22  }
0x4c: {  	v23 =	vld.idx.msk [tilespmem:v1+s20+$0x60 ss:$0x1], $0xffff;
	v26, _, _ =	vpop (xrf0);
	v9 =	vadd.s32 $0x50, v9;
	v24 =	vadd.s32 v24, v25;
	v6 =	vsel vm6, v6, v8  }
0x4d: {  	v8 =	vld.idx.msk [tilespmem:v1+s20+$0x0 ss:$0x1], $0xffff;
	v27 =	vsub.s32 v2, v26;
	v21 =	vadd.s32 $0x60, v21;
	v5 =	vsel vm5, v13, v9  }
0x4e: {  	v2 =	vadd.s32 v19, v22;
	v19 =	vadd.s32 v19, v26;
	v26 =	vld.idx.msk [tilespmem:v1+s20+$0x40 ss:$0x1], $0xffff;
	v9 =	vsel vm1, v24, v21  }
0x4f: {  	v10 =	vsel vm3, v14, v16;
	v14 =	vadd.s32 $0x20, v0;
	v13 =	vld.idx.msk [tilespmem:v1+s20+$0x10 ss:$0x1], $0xffff;
	v22 =	vadd.s32 $0x70, v27  }
0x50: {  	s31 =	simm.s32 $0x0;
	v16 =	vadd.s32 $0x60, v0;
	v20 =	vadd.s32 $0x50, v0;
	v27 =	vld.idx.msk [tilespmem:v1+s20+$0x30 ss:$0x1], $0xffff;
	v15 =	vsel vm2, v19, v22  }
0x51: {  	v3 =	vadd.s32 $0x80, v3;
	v17 =	vshrl.u32 v17, s31;
	v19 =	vadd.s32 $0x30, v0;
	v25, _, _ =	vpop (xrf0)  }
0x52: {  	v21 =	vshrl.u32 v23, s31;
	v12 =	vadd.s32 v12, v25;
	v11 =	vsub.s32 v11, v25;
	[tilespmem:v5+s15+$0x0] =	vst.idx.msk $0xffff, v20  }
0x53: {  	v24 =	vsel vm0, v12, v11;
	v11 =	vadd.s32 $0x10, v0;
	v12 =	vadd.s32 $0x70, v0;
	[tilespmem:v9+s15+$0x0] =	vst.idx.msk $0xffff, v16  }
0x54: {  	v5 =	vshrl.u32 v13, s31;
	v13 =	vshrl.u32 v18, s31;
	v9 =	vshrl.u32 v26, s31;
	[tilespmem:v4+s15+$0x0] =	vst.idx.msk $0xffff, v11  }
0x55: {  	v16 =	vshrl.u32 v28, s31;
	v4 =	vshrl.u32 v8, s31;
	[tilespmem:v15+s15+$0x0] =	vst.idx.msk $0xffff, v12;
	v12 =	vshrl.u32 v27, s31  }
0x56: {  	[tilespmem:v7+s15+$0x0] =	vst.idx.msk $0xffff, v19;
	v15 =	vadd.s32 $0x40, v0;
	v9 =	vand.u32 $0x1, v9;
	v11 =	vand.u32 $0x1, v16  }
0x57: {  	[tilespmem:v6+s15+$0x0] =	vst.idx.msk $0xffff, v14;
	v16 =	vand.u32 $0x1, v17;
	v17 =	vand.u32 $0x1, v4;
	v8 =	vand.u32 $0x1, v12  }
0x58: {  	v4 =	vand.u32 $0x1, v5;
	v5 =	vand.u32 $0x1, v13;
	v12 =	vand.u32 $0x1, v21;
	(xrf0) =	vadd.scan.msk.s32 $0xffff, v8  }
0x59: {  	vm0 =	veq.s32 v17, $0x1;
	vm6 =	veq.s32 v16, $0x1;
	vm3 =	veq.s32 v4, $0x1;
	(xrf0) =	vadd.scan.msk.s32 $0xffff, v9  }
0x5a: {  	vm5 =	veq.s32 v11, $0x1;
	vm4 =	veq.s32 v5, $0x1;
	v13 =	vmpcnt.ones.xlane vm0;
	(xrf0) =	vadd.scan.msk.s32 $0xffff, v4  }
0x5b: {  	vm2 =	veq.s32 v9, $0x1;
	vm1 =	veq.s32 v12, $0x1;
	v18 =	vmpcnt.ones.xlane vm3;
	(xrf0) =	vadd.scan.msk.s32 $0xffff, v5  }
0x5c: {  	vm7 =	veq.s32 v8, $0x1;
	v9 =	vmpcnt.ones.xlane vm4;
	v25 =	vsub.s32 v3, v13;
	(xrf0) =	vadd.scan.msk.s32 $0xffff, v11  }
0x5d: {  	v5 =	vadd.s32 v2, v13;
	v26 =	vsub.s32 v25, v18;
	v11 =	vmpcnt.ones.xlane vm7;
	(xrf0) =	vadd.scan.msk.s32 $0xffff, v12  }
0x5e: {  	v14 =	vmpcnt.ones.xlane vm2;
	v8 =	vadd.s32 v5, v18;
	v28 =	vsub.s32 v26, v9;
	v4, _, _ =	vpop (xrf0);
	(xrf0) =	vadd.scan.msk.s32 $0xffff, v16  }
0x5f: {  	v9 =	vadd.s32 v8, v9;
	v16 =	vsub.s32 v28, v11;
	v6, _, _ =	vpop (xrf0);
	(xrf0) =	vadd.scan.msk.s32 $0xffff, v17;
	v17 =	vmpcnt.ones.xlane vm5  }
0x60: {  	[tilespmem:v10+s15+$0x0] =	vst.idx.msk $0xffff, v15;
	v29 =	vmpcnt.ones.xlane vm6;
	v11 =	vadd.s32 v9, v11;
	v7 =	vsub.s32 v16, v14;
	v12, _, _ =	vpop (xrf0)  }
0x61: {  	v21 =	vmpcnt.ones.xlane vm1;
	[tilespmem:v24+s15+$0x0] =	vst.idx.msk $0xffff, v0;
	v14 =	vadd.s32 v11, v14;
	v13, _, _ =	vpop (xrf0);
	v10 =	vsub.s32 v7, v17  }
0x62: {  	v19 =	vadd.s32 v14, v17;
	v24 =	vsub.s32 v25, v12;
	v15, _, _ =	vpop (xrf0);
	v25 =	vsub.s32 v26, v13  }
0x63: {  	v26 =	vsub.s32 v28, v4;
	v18 =	vsub.s32 v7, v15;
	v7 =	vsub.s32 v10, v21;
	v20, _, _ =	vpop (xrf0)  }
0x64: {  	v21 =	vadd.s32 v19, v21;
	v23 =	vsub.s32 v10, v20;
	v10 =	vsub.s32 v7, v29;
	v22, _, _ =	vpop (xrf0)  }
0x65: {  	s21 =	simm.s32 $0x800;
	s20 =	simm.s32 $0x8;
	v27 =	vsub.s32 v7, v22;
	v7 =	vadd.s32 v21, v29;
	v10 =	vadd.s32 $0x80, v10;
	v17, _, _ =	vpop (xrf0)  }
.LBB2_4:
0x66: {  	s22 =	sand.u32 $0x400, s21;
	v16 =	vsub.s32 v16, v6;
	v23 =	vadd.s32 $0x60, v23;
	v27 =	vadd.s32 $0x70, v27  }
0x67: {  	v18 =	vadd.s32 $0x50, v18;
	v19 =	vadd.s32 v19, v20;
	v20 =	vadd.s32 v21, v22;
	v28 =	vld.idx.msk [tilespmem:v1+s22+$0x30 ss:$0x1], $0xffff  }
0x68: {  	v22 =	vadd.s32 $0x10, v24;
	v24 =	vadd.s32 $0x20, v25;
	v25 =	vadd.s32 $0x30, v26;
	v21 =	vld.idx.msk [tilespmem:v1+s22+$0x40 ss:$0x1], $0xffff  }
0x69: {  	v29 =	vadd.s32 v2, v17;
	v14 =	vadd.s32 v14, v15;
	v2 =	vmovc v7;
	v16 =	vadd.s32 $0x40, v16;
	v26 =	vld.idx.msk [tilespmem:v1+s22+$0x50 ss:$0x1], $0xffff  }
0x6a: {  	v3 =	vsub.s32 v3, v17;
	v5 =	vadd.s32 v5, v12;
	v8 =	vadd.s32 v8, v13;
	v15 =	vld.idx.msk [tilespmem:v1+s22+$0x60 ss:$0x1], $0xffff  }
0x6b: {  	v4 =	vadd.s32 v9, v4;
	v6 =	vadd.s32 v11, v6;
	v9 =	vsel vm6, v20, v27;
	v12 =	vld.idx.msk [tilespmem:v1+s22+$0x70 ss:$0x1], $0xffff  }
0x6c: {  	v5 =	vsel vm3, v5, v22;
	v13 =	vsel vm5, v14, v18;
	v14 =	vsel vm1, v19, v23;
	v11 =	vld.idx.msk [tilespmem:v1+s22+$0x20 ss:$0x1], $0xffff  }
0x6d: {  	v8 =	vsel vm4, v8, v24;
	v18 =	vsel vm7, v4, v25;
	v19 =	vsel vm2, v6, v16;
	v17 =	vld.idx.msk [tilespmem:v1+s22+$0x10 ss:$0x1], $0xffff  }
0x6e: {  	v0 =	vadd.s32 $0x80, v0;
	v20 =	vsel vm0, v29, v3;
	v3 =	vmov v10;
	v4 =	vld.idx.msk [tilespmem:v1+s22+$0x0 ss:$0x1], $0xffff  }
0x6f: {  	s20 =	sadd.s32 $0x8, s20;
	v6 =	vadd.s32 $0x10, v0;
	v16 =	vadd.s32 $0x70, v0  }
0x70: {  	p0 =	slt.u32 s20, $0x1F8;
	v22 =	vadd.s32 $0x20, v0;
	v23 =	vadd.s32 $0x30, v0;
	v24 =	vadd.s32 $0x60, v0;
	s22 =	sshrl.u32 s20, $0x4;
	[tilespmem:v9+s15+$0x0] =	vst.idx.msk $0xffff, v16  }
0x71: {  	v25 =	vadd.s32 $0x40, v0;
	v9 =	vshrl.u32 v28, s22;
	v16 =	vadd.s32 $0x50, v0;
	[tilespmem:v14+s15+$0x0] =	vst.idx.msk $0xffff, v24  }
0x72: {  	v15 =	vshrl.u32 v15, s22;
	v14 =	vshrl.u32 v21, s22;
	v21 =	vshrl.u32 v26, s22;
	[tilespmem:v13+s15+$0x0] =	vst.idx.msk $0xffff, v16  }
0x73: {  	v12 =	vshrl.u32 v12, s22;
	v11 =	vshrl.u32 v11, s22;
	v13 =	vshrl.u32 v17, s22;
	[tilespmem:v5+s15+$0x0] =	vst.idx.msk $0xffff, v6  }
0x74: {  	v4 =	vshrl.u32 v4, s22;
	v5 =	vand.u32 $0x1, v9;
	v6 =	vand.u32 $0x1, v14;
	[tilespmem:v8+s15+$0x0] =	vst.idx.msk $0xffff, v22  }
0x75: {  	v12 =	vand.u32 $0x1, v12;
	v9 =	vand.u32 $0x1, v15;
	v8 =	vand.u32 $0x1, v21;
	(xrf0) =	vadd.scan.msk.s32 $0xffff, v5  }
0x76: {  	v11 =	vand.u32 $0x1, v11;
	v14 =	vand.u32 $0x1, v4;
	v4 =	vand.u32 $0x1, v13;
	(xrf0) =	vadd.scan.msk.s32 $0xffff, v6  }
0x77: {  	vm6 =	veq.s32 v12, $0x1;
	vm1 =	veq.s32 v9, $0x1;
	vm0 =	veq.s32 v14, $0x1;
	(xrf0) =	vadd.scan.msk.s32 $0xffff, v4  }
0x78: {  	vm3 =	veq.s32 v4, $0x1;
	vm5 =	veq.s32 v8, $0x1;
	v13 =	vmpcnt.ones.xlane vm0;
	(xrf0) =	vadd.scan.msk.s32 $0xffff, v11  }
0x79: {  	vm4 =	veq.s32 v11, $0x1;
	vm2 =	veq.s32 v6, $0x1;
	v15 =	vmpcnt.ones.xlane vm3;
	(xrf0) =	vadd.scan.msk.s32 $0xffff, v8  }
0x7a: {  	vm7 =	veq.s32 v5, $0x1;
	v24 =	vsub.s32 v10, v13;
	v10 =	vmpcnt.ones.xlane vm4;
	(xrf0) =	vadd.scan.msk.s32 $0xffff, v9  }
0x7b: {  	v5 =	vadd.s32 v7, v13;
	v7 =	vmpcnt.ones.xlane vm7;
	v26 =	vsub.s32 v24, v15;
	v4, _, _ =	vpop (xrf0);
	(xrf0) =	vadd.scan.msk.s32 $0xffff, v12  }
0x7c: {  	v22 =	vmpcnt.ones.xlane vm2;
	v8 =	vadd.s32 v5, v15;
	v28 =	vsub.s32 v26, v10;
	(xrf0) =	vadd.scan.msk.s32 $0xffff, v14;
	v6, _, _ =	vpop (xrf0)  }
0x7d: {  	v9 =	vadd.s32 v8, v10;
	v10 =	vmpcnt.ones.xlane vm5;
	v16 =	vsub.s32 v28, v7;
	v12, _, _ =	vpop (xrf0);
	[tilespmem:v18+s15+$0x0] =	vst.idx.msk $0xffff, v23  }
0x7e: {  	v17 =	vmpcnt.ones.xlane vm1;
	v11 =	vadd.s32 v9, v7;
	v7 =	vsub.s32 v16, v22;
	v13, _, _ =	vpop (xrf0);
	[tilespmem:v19+s15+$0x0] =	vst.idx.msk $0xffff, v25  }
.Ltmp5:
0x7f: {  	v14 =	vadd.s32 v11, v22;
	v21 =	vsub.s32 v7, v10;
	v25 =	vmpcnt.ones.xlane vm6;
	v15, _, _ =	vpop (xrf0);
	[tilespmem:v20+s15+$0x0] =	vst.idx.msk $0xffff, v0;
	(pc) =	sbr.rel @p0 .LBB2_4-.Ltmp5, $4  }
0x80: {  	v19 =	vadd.s32 v14, v10;
	v18 =	vsub.s32 v7, v15;
	v7 =	vsub.s32 v21, v17;
	v20, _, _ =	vpop (xrf0)  }
0x81: {  	v23 =	vsub.s32 v21, v20;
	v21 =	vadd.s32 v19, v17;
	v10 =	vsub.s32 v7, v25;
	v22, _, _ =	vpop (xrf0)  }
0x82: {  	v27 =	vsub.s32 v7, v22;
	v7 =	vadd.s32 v21, v25;
	v10 =	vadd.s32 $0x80, v10;
	v17, _, _ =	vpop (xrf0)  }
0x83: {  	s21 =	sadd.s32 $0x400, s21;
	v24 =	vsub.s32 v24, v12;
	v25 =	vsub.s32 v26, v13;
	v26 =	vsub.s32 v28, v4  }
0x84: {  	v1 =	vsub.s32 v16, v6  }
0x85: {  	v7 =	vadd.s32 $0x60, v23;
	v10 =	vadd.s32 $0x70, v27;
	v49 =	vadd.s32 $0x50, v18  }
0x86: {  	v50 =	vadd.s32 v19, v20;
	v51 =	vadd.s32 v21, v22;
	v52 =	vadd.s32 $0x10, v24  }
0x87: {  	v53 =	vadd.s32 $0x20, v25;
	v54 =	vadd.s32 $0x30, v26;
	v10 =	vsel vm6, v51, v10  }
0x88: {  	v2 =	vadd.s32 v2, v17;
	v14 =	vadd.s32 v14, v15;
	v7 =	vsel vm1, v50, v7  }
0x89: {  	v5 =	vadd.s32 v5, v12;
	v8 =	vadd.s32 v8, v13;
	v55 =	vsel vm5, v14, v49  }
0x8a: {  	v0 =	vadd.s32 $0x80, v0;
	v4 =	vadd.s32 v9, v4;
	v5 =	vsel vm3, v5, v52  }
0x8b: {  	v57 =	vadd.s32 v11, v6;
	v8 =	vsel vm4, v8, v53;
	v56 =	vadd.s32 $0x70, v0  }
0x8c: {  	v3 =	vsub.s32 v3, v17;
	v4 =	vsel vm7, v4, v54;
	v58 =	vadd.s32 $0x60, v0;
	[tilespmem:v10+s15+$0x0] =	vst.idx.msk $0xffff, v56  }
0x8d: {  	v1 =	vadd.s32 $0x40, v1;
	v59 =	vadd.s32 $0x50, v0;
	v2 =	vsel vm0, v2, v3;
	[tilespmem:v7+s15+$0x0] =	vst.idx.msk $0xffff, v58  }
0x8e: {  	v60 =	vadd.s32 $0x10, v0;
	v1 =	vsel vm2, v57, v1;
	[tilespmem:v55+s15+$0x0] =	vst.idx.msk $0xffff, v59  }
0x8f: {  	p0 =	seq.s32 s19, $0x0;
	v61 =	vadd.s32 $0x20, v0;
	[tilespmem:v5+s15+$0x0] =	vst.idx.msk $0xffff, v60  }
.Ltmp6:
0x90: {  	s20 =	sshll.u32 s17, $0x4;
	v62 =	vadd.s32 $0x30, v0;
	[tilespmem:v8+s15+$0x0] =	vst.idx.msk $0xffff, v61;
	(pc) =	sbr.rel @p0 .LBB2_9-.Ltmp6, $4  }
0x91: {  	s21 =	sshll.u32 s18, $0xA;
	s20 =	sand.u32 $0x60, s20;
	[tilespmem:v4+s15+$0x0] =	vst.idx.msk $0xffff, v62  }
0x92: {  	v63 =	vadd.s32 $0x40, v0;
	s21 =	sand.u32 $0xFFFE000, s21;
	s20 =	sadd.s32 s2, s20;
	[tilespmem:v2+s15+$0x0] =	vst.idx.msk $0xffff, v0  }
0x93: {  	s20 =	sadd.s32 s21, s20;
	[tilespmem:v1+s15+$0x0] =	vst.idx.msk $0xffff, v63  }
0x94: {  	[hbm4b:s20+s11] =	stream.strided.scatter [tilespmem:s15], [sflag:$0x1], $0x2000, s12, s11, $0x38;
	[tilespmem:$0x7000] =	vst v63  }
.LBB2_6:
0x95: {  	s19 =	sshll.u32 s17, $0x7;
	s20 =	sshll.u32 s17, $0x8  }
0x96: {  	s20 =	sand.u32 $0x1800, s20;
	s21 =	sand.u32 $0x380, s19  }
0x97: {  	p0 =	slt.u32 s17, $0x2;
	s20 =	sor.u32 s21, s20  }
0x98: {  	v1 =	vmov s20;
	s20 =	simm.s32 @!p0 $0x2  }
0x99: {  	_ =	swait.ge @!p0 [sflag:s20], $0x2000  }
0x9a: {  	[sflag:s20] =	ssyncset.done @!p0 $0x0  }
0x9b: {  	s26 =	simm.s32 $0x0;
	s19 =	sand.u32 $0x3FFFFF80, s19;
	[sflag:s20] =	ssyncadd.s32 @!p0 $0xFFFFE000  }
0x9c: {  	s28 =	sand.u32 $0x400, s26;
	v2 =	vld [tilespmem:s19+$0x2000]  }
0x9d: {  	v3 =	vld.idx.msk [tilespmem:v1+s28+$0x30 ss:$0x1], $0xffff  }
0x9e: {  	v4 =	vld.idx.msk [tilespmem:v1+s28+$0x40 ss:$0x1], $0xffff  }
0x9f: {  	v5 =	vld.idx.msk [tilespmem:v1+s28+$0x50 ss:$0x1], $0xffff  }
0xa0: {  	v6 =	vld.idx.msk [tilespmem:v1+s28+$0x60 ss:$0x1], $0xffff  }
0xa1: {  	v7 =	vld.idx.msk [tilespmem:v1+s28+$0x70 ss:$0x1], $0xffff  }
0xa2: {  	v8 =	vld.idx.msk [tilespmem:v1+s28+$0x20 ss:$0x1], $0xffff  }
0xa3: {  	v9 =	vld.idx.msk [tilespmem:v1+s28+$0x10 ss:$0x1], $0xffff  }
0xa4: {  	v10 =	vld.idx.msk [tilespmem:v1+s28+$0x0 ss:$0x1], $0xffff  }
0xa5: {  	v0 =	vlaneseq.u32;
	s29 =	simm.s32 $0x0  }
0xa6: {  	v12 =	vimm.s32 $0xFFFFFFFF;
	v11 =	vadd.s32 v0, v2;
	v2 =	vshrl.u32 v3, s29  }
0xa7: {  	v3 =	vshrl.u32 v4, s29;
	v4 =	vshrl.u32 v5, s29;
	v5 =	vshrl.u32 v6, s29  }
0xa8: {  	v6 =	vshrl.u32 v9, s29;
	v8 =	vshrl.u32 v8, s29;
	v7 =	vshrl.u32 v7, s29  }
0xa9: {  	v9 =	vshrl.u32 v10, s29;
	v2 =	vand.u32 $0x1, v2;
	v3 =	vand.u32 $0x1, v3  }
0xaa: {  	v4 =	vand.u32 $0x1, v4;
	v5 =	vand.u32 $0x1, v5;
	v7 =	vand.u32 $0x1, v7  }
0xab: {  	v9 =	vand.u32 $0x1, v9;
	v6 =	vand.u32 $0x1, v6;
	v8 =	vand.u32 $0x1, v8;
	(xrf0) =	vadd.scan.msk.s32 $0xffff, v2  }
0xac: {  	vm0 =	veq.s32 v9, $0x1;
	vm1 =	veq.s32 v5, $0x1;
	vm2 =	veq.s32 v7, $0x1;
	(xrf0) =	vadd.scan.msk.s32 $0xffff, v3  }
0xad: {  	vm4 =	veq.s32 v6, $0x1;
	vm6 =	veq.s32 v8, $0x1;
	vm3 =	veq.s32 v3, $0x1;
	(xrf0) =	vadd.scan.msk.s32 $0xffff, v6  }
0xae: {  	vm7 =	veq.s32 v2, $0x1;
	v10 =	vmpcnt.ones.xlane vm0;
	v3 =	vmpcnt.ones.xlane vm6;
	(xrf0) =	vadd.scan.msk.s32 $0xffff, v8  }
0xaf: {  	vm5 =	veq.s32 v4, $0x1;
	v2 =	vmpcnt.ones.xlane vm7;
	v6 =	vmpcnt.ones.xlane vm4;
	(xrf0) =	vadd.scan.msk.s32 $0xffff, v4  }
0xb0: {  	v13 =	vmpcnt.ones.xlane vm3;
	v4 =	vsub.s32 v11, v10;
	(xrf0) =	vadd.scan.msk.s32 $0xffff, v5;
	v5 =	vadd.s32 v12, v10  }
0xb1: {  	v19 =	vmpcnt.ones.xlane vm1;
	v8 =	vsub.s32 v4, v6;
	v6 =	vadd.s32 v5, v6  }
0xb2: {  	v22 =	vmpcnt.ones.xlane vm2;
	v10, _, _ =	vpop (xrf0);
	(xrf0) =	vadd.scan.msk.s32 $0xffff, v7;
	v7 =	vsub.s32 v8, v3;
	v15 =	vadd.s32 v6, v3  }
0xb3: {  	v14, _, _ =	vpop (xrf0);
	v16 =	vsub.s32 v7, v2;
	v3 =	vmpcnt.ones.xlane vm5;
	v7 =	vsub.s32 v7, v10  }
0xb4: {  	v18 =	vadd.s32 v15, v2;
	v2 =	vsub.s32 v16, v13;
	v16 =	vsub.s32 v16, v14  }
0xb5: {  	v17, _, _ =	vpop (xrf0);
	v7 =	vadd.s32 $0x30, v7;
	v10 =	vadd.s32 v15, v10;
	v13 =	vadd.s32 v18, v13  }
0xb6: {  	s30 =	simm.s32 $0x400;
	v21 =	vsub.s32 v2, v3;
	v4 =	vsub.s32 v4, v17;
	v16 =	vadd.s32 $0x40, v16  }
0xb7: {  	s19 =	sand.u32 $0x400, s30;
	v20, _, _ =	vpop (xrf0);
	v5 =	vadd.s32 v5, v17;
	v14 =	vadd.s32 v18, v14;
	v7 =	vsel vm7, v10, v7  }
0xb8: {  	v28 =	vld.idx.msk [tilespmem:v1+s19+$0x50 ss:$0x1], $0xffff;
	v23, _, _ =	vpop (xrf0);
	v24 =	vadd.s32 v13, v3;
	v8 =	vsub.s32 v8, v20;
	v4 =	vadd.s32 $0x10, v4  }
0xb9: {  	(xrf0) =	vadd.scan.msk.s32 $0xffff, v9;
	v6 =	vadd.s32 v6, v20;
	v9 =	vsub.s32 v2, v23;
	v2 =	vsub.s32 v21, v19  }
0xba: {  	v17 =	vld.idx.msk [tilespmem:v1+s19+$0x70 ss:$0x1], $0xffff;
	v25, _, _ =	vpop (xrf0);
	v19 =	vadd.s32 v24, v19;
	v8 =	vadd.s32 $0x20, v8;
	v13 =	vadd.s32 v13, v23  }
0xbb: {  	v18 =	vld.idx.msk [tilespmem:v1+s19+$0x20 ss:$0x1], $0xffff;
	v4 =	vsel vm4, v5, v4;
	v21 =	vsub.s32 v21, v25;
	v3 =	vsub.s32 v2, v22  }
0xbc: {  	v23 =	vld.idx.msk [tilespmem:v1+s19+$0x60 ss:$0x1], $0xffff;
	v26, _, _ =	vpop (xrf0);
	v9 =	vadd.s32 $0x50, v9;
	v24 =	vadd.s32 v24, v25;
	v6 =	vsel vm6, v6, v8  }
0xbd: {  	v8 =	vld.idx.msk [tilespmem:v1+s19+$0x0 ss:$0x1], $0xffff;
	v27 =	vsub.s32 v2, v26;
	v21 =	vadd.s32 $0x60, v21;
	v5 =	vsel vm5, v13, v9  }
0xbe: {  	v2 =	vadd.s32 v19, v22;
	v19 =	vadd.s32 v19, v26;
	v26 =	vld.idx.msk [tilespmem:v1+s19+$0x40 ss:$0x1], $0xffff;
	v9 =	vsel vm1, v24, v21  }
0xbf: {  	v10 =	vsel vm3, v14, v16;
	v14 =	vadd.s32 $0x20, v0;
	v13 =	vld.idx.msk [tilespmem:v1+s19+$0x10 ss:$0x1], $0xffff;
	v22 =	vadd.s32 $0x70, v27  }
0xc0: {  	s31 =	simm.s32 $0x0;
	v16 =	vadd.s32 $0x60, v0;
	v20 =	vadd.s32 $0x50, v0;
	v27 =	vld.idx.msk [tilespmem:v1+s19+$0x30 ss:$0x1], $0xffff;
	v15 =	vsel vm2, v19, v22  }
0xc1: {  	v3 =	vadd.s32 $0x80, v3;
	v17 =	vshrl.u32 v17, s31;
	v19 =	vadd.s32 $0x30, v0;
	v25, _, _ =	vpop (xrf0)  }
0xc2: {  	v21 =	vshrl.u32 v23, s31;
	v12 =	vadd.s32 v12, v25;
	v11 =	vsub.s32 v11, v25;
	[tilespmem:v5+s10+$0x0] =	vst.idx.msk $0xffff, v20  }
0xc3: {  	v24 =	vsel vm0, v12, v11;
	v11 =	vadd.s32 $0x10, v0;
	v12 =	vadd.s32 $0x70, v0;
	[tilespmem:v9+s10+$0x0] =	vst.idx.msk $0xffff, v16  }
0xc4: {  	v5 =	vshrl.u32 v13, s31;
	v13 =	vshrl.u32 v18, s31;
	v9 =	vshrl.u32 v26, s31;
	[tilespmem:v4+s10+$0x0] =	vst.idx.msk $0xffff, v11  }
0xc5: {  	v16 =	vshrl.u32 v28, s31;
	v4 =	vshrl.u32 v8, s31;
	[tilespmem:v15+s10+$0x0] =	vst.idx.msk $0xffff, v12;
	v12 =	vshrl.u32 v27, s31  }
0xc6: {  	[tilespmem:v7+s10+$0x0] =	vst.idx.msk $0xffff, v19;
	v15 =	vadd.s32 $0x40, v0;
	v9 =	vand.u32 $0x1, v9;
	v11 =	vand.u32 $0x1, v16  }
0xc7: {  	[tilespmem:v6+s10+$0x0] =	vst.idx.msk $0xffff, v14;
	v16 =	vand.u32 $0x1, v17;
	v17 =	vand.u32 $0x1, v4;
	v8 =	vand.u32 $0x1, v12  }
0xc8: {  	v4 =	vand.u32 $0x1, v5;
	v5 =	vand.u32 $0x1, v13;
	v12 =	vand.u32 $0x1, v21;
	(xrf0) =	vadd.scan.msk.s32 $0xffff, v8  }
0xc9: {  	vm0 =	veq.s32 v17, $0x1;
	vm6 =	veq.s32 v16, $0x1;
	vm3 =	veq.s32 v4, $0x1;
	(xrf0) =	vadd.scan.msk.s32 $0xffff, v9  }
0xca: {  	vm5 =	veq.s32 v11, $0x1;
	vm4 =	veq.s32 v5, $0x1;
	v13 =	vmpcnt.ones.xlane vm0;
	(xrf0) =	vadd.scan.msk.s32 $0xffff, v4  }
0xcb: {  	vm2 =	veq.s32 v9, $0x1;
	vm1 =	veq.s32 v12, $0x1;
	v18 =	vmpcnt.ones.xlane vm3;
	(xrf0) =	vadd.scan.msk.s32 $0xffff, v5  }
0xcc: {  	vm7 =	veq.s32 v8, $0x1;
	v9 =	vmpcnt.ones.xlane vm4;
	v25 =	vsub.s32 v3, v13;
	(xrf0) =	vadd.scan.msk.s32 $0xffff, v11  }
0xcd: {  	v5 =	vadd.s32 v2, v13;
	v26 =	vsub.s32 v25, v18;
	v11 =	vmpcnt.ones.xlane vm7;
	(xrf0) =	vadd.scan.msk.s32 $0xffff, v12  }
0xce: {  	v14 =	vmpcnt.ones.xlane vm2;
	v8 =	vadd.s32 v5, v18;
	v28 =	vsub.s32 v26, v9;
	v4, _, _ =	vpop (xrf0);
	(xrf0) =	vadd.scan.msk.s32 $0xffff, v16  }
0xcf: {  	v9 =	vadd.s32 v8, v9;
	v16 =	vsub.s32 v28, v11;
	v6, _, _ =	vpop (xrf0);
	(xrf0) =	vadd.scan.msk.s32 $0xffff, v17;
	v17 =	vmpcnt.ones.xlane vm5  }
0xd0: {  	[tilespmem:v10+s10+$0x0] =	vst.idx.msk $0xffff, v15;
	v29 =	vmpcnt.ones.xlane vm6;
	v11 =	vadd.s32 v9, v11;
	v7 =	vsub.s32 v16, v14;
	v12, _, _ =	vpop (xrf0)  }
0xd1: {  	v21 =	vmpcnt.ones.xlane vm1;
	[tilespmem:v24+s10+$0x0] =	vst.idx.msk $0xffff, v0;
	v14 =	vadd.s32 v11, v14;
	v13, _, _ =	vpop (xrf0);
	v10 =	vsub.s32 v7, v17  }
0xd2: {  	v19 =	vadd.s32 v14, v17;
	v24 =	vsub.s32 v25, v12;
	v15, _, _ =	vpop (xrf0);
	v25 =	vsub.s32 v26, v13  }
0xd3: {  	v26 =	vsub.s32 v28, v4;
	v18 =	vsub.s32 v7, v15;
	v7 =	vsub.s32 v10, v21;
	v20, _, _ =	vpop (xrf0)  }
0xd4: {  	v21 =	vadd.s32 v19, v21;
	v23 =	vsub.s32 v10, v20;
	v10 =	vsub.s32 v7, v29;
	v22, _, _ =	vpop (xrf0)  }
0xd5: {  	s20 =	simm.s32 $0x800;
	s19 =	simm.s32 $0x8;
	v27 =	vsub.s32 v7, v22;
	v7 =	vadd.s32 v21, v29;
	v10 =	vadd.s32 $0x80, v10;
	v17, _, _ =	vpop (xrf0)  }
.LBB2_7:
0xd6: {  	s21 =	sand.u32 $0x400, s20;
	v16 =	vsub.s32 v16, v6;
	v23 =	vadd.s32 $0x60, v23;
	v27 =	vadd.s32 $0x70, v27  }
0xd7: {  	v18 =	vadd.s32 $0x50, v18;
	v19 =	vadd.s32 v19, v20;
	v20 =	vadd.s32 v21, v22;
	v28 =	vld.idx.msk [tilespmem:v1+s21+$0x30 ss:$0x1], $0xffff  }
0xd8: {  	v22 =	vadd.s32 $0x10, v24;
	v24 =	vadd.s32 $0x20, v25;
	v25 =	vadd.s32 $0x30, v26;
	v21 =	vld.idx.msk [tilespmem:v1+s21+$0x40 ss:$0x1], $0xffff  }
0xd9: {  	v29 =	vadd.s32 v2, v17;
	v14 =	vadd.s32 v14, v15;
	v2 =	vmovc v7;
	v16 =	vadd.s32 $0x40, v16;
	v26 =	vld.idx.msk [tilespmem:v1+s21+$0x50 ss:$0x1], $0xffff  }
0xda: {  	v3 =	vsub.s32 v3, v17;
	v5 =	vadd.s32 v5, v12;
	v8 =	vadd.s32 v8, v13;
	v15 =	vld.idx.msk [tilespmem:v1+s21+$0x60 ss:$0x1], $0xffff  }
0xdb: {  	v4 =	vadd.s32 v9, v4;
	v6 =	vadd.s32 v11, v6;
	v9 =	vsel vm6, v20, v27;
	v12 =	vld.idx.msk [tilespmem:v1+s21+$0x70 ss:$0x1], $0xffff  }
0xdc: {  	v5 =	vsel vm3, v5, v22;
	v13 =	vsel vm5, v14, v18;
	v14 =	vsel vm1, v19, v23;
	v11 =	vld.idx.msk [tilespmem:v1+s21+$0x20 ss:$0x1], $0xffff  }
0xdd: {  	v8 =	vsel vm4, v8, v24;
	v18 =	vsel vm7, v4, v25;
	v19 =	vsel vm2, v6, v16;
	v17 =	vld.idx.msk [tilespmem:v1+s21+$0x10 ss:$0x1], $0xffff  }
0xde: {  	v0 =	vadd.s32 $0x80, v0;
	v20 =	vsel vm0, v29, v3;
	v3 =	vmov v10;
	v4 =	vld.idx.msk [tilespmem:v1+s21+$0x0 ss:$0x1], $0xffff  }
0xdf: {  	s19 =	sadd.s32 $0x8, s19;
	v6 =	vadd.s32 $0x10, v0;
	v16 =	vadd.s32 $0x70, v0  }
0xe0: {  	p0 =	slt.u32 s19, $0x1F8;
	v22 =	vadd.s32 $0x20, v0;
	v23 =	vadd.s32 $0x30, v0;
	v24 =	vadd.s32 $0x60, v0;
	s21 =	sshrl.u32 s19, $0x4;
	[tilespmem:v9+s10+$0x0] =	vst.idx.msk $0xffff, v16  }
0xe1: {  	v25 =	vadd.s32 $0x40, v0;
	v9 =	vshrl.u32 v28, s21;
	v16 =	vadd.s32 $0x50, v0;
	[tilespmem:v14+s10+$0x0] =	vst.idx.msk $0xffff, v24  }
0xe2: {  	v15 =	vshrl.u32 v15, s21;
	v14 =	vshrl.u32 v21, s21;
	v21 =	vshrl.u32 v26, s21;
	[tilespmem:v13+s10+$0x0] =	vst.idx.msk $0xffff, v16  }
0xe3: {  	v12 =	vshrl.u32 v12, s21;
	v11 =	vshrl.u32 v11, s21;
	v13 =	vshrl.u32 v17, s21;
	[tilespmem:v5+s10+$0x0] =	vst.idx.msk $0xffff, v6  }
0xe4: {  	v4 =	vshrl.u32 v4, s21;
	v5 =	vand.u32 $0x1, v9;
	v6 =	vand.u32 $0x1, v14;
	[tilespmem:v8+s10+$0x0] =	vst.idx.msk $0xffff, v22  }
0xe5: {  	v12 =	vand.u32 $0x1, v12;
	v9 =	vand.u32 $0x1, v15;
	v8 =	vand.u32 $0x1, v21;
	(xrf0) =	vadd.scan.msk.s32 $0xffff, v5  }
0xe6: {  	v11 =	vand.u32 $0x1, v11;
	v14 =	vand.u32 $0x1, v4;
	v4 =	vand.u32 $0x1, v13;
	(xrf0) =	vadd.scan.msk.s32 $0xffff, v6  }
0xe7: {  	vm6 =	veq.s32 v12, $0x1;
	vm1 =	veq.s32 v9, $0x1;
	vm0 =	veq.s32 v14, $0x1;
	(xrf0) =	vadd.scan.msk.s32 $0xffff, v4  }
0xe8: {  	vm3 =	veq.s32 v4, $0x1;
	vm5 =	veq.s32 v8, $0x1;
	v13 =	vmpcnt.ones.xlane vm0;
	(xrf0) =	vadd.scan.msk.s32 $0xffff, v11  }
0xe9: {  	vm4 =	veq.s32 v11, $0x1;
	vm2 =	veq.s32 v6, $0x1;
	v15 =	vmpcnt.ones.xlane vm3;
	(xrf0) =	vadd.scan.msk.s32 $0xffff, v8  }
0xea: {  	vm7 =	veq.s32 v5, $0x1;
	v24 =	vsub.s32 v10, v13;
	v10 =	vmpcnt.ones.xlane vm4;
	(xrf0) =	vadd.scan.msk.s32 $0xffff, v9  }
0xeb: {  	v5 =	vadd.s32 v7, v13;
	v7 =	vmpcnt.ones.xlane vm7;
	v26 =	vsub.s32 v24, v15;
	v4, _, _ =	vpop (xrf0);
	(xrf0) =	vadd.scan.msk.s32 $0xffff, v12  }
0xec: {  	v22 =	vmpcnt.ones.xlane vm2;
	v8 =	vadd.s32 v5, v15;
	v28 =	vsub.s32 v26, v10;
	(xrf0) =	vadd.scan.msk.s32 $0xffff, v14;
	v6, _, _ =	vpop (xrf0)  }
0xed: {  	v9 =	vadd.s32 v8, v10;
	v10 =	vmpcnt.ones.xlane vm5;
	v16 =	vsub.s32 v28, v7;
	v12, _, _ =	vpop (xrf0);
	[tilespmem:v18+s10+$0x0] =	vst.idx.msk $0xffff, v23  }
0xee: {  	v17 =	vmpcnt.ones.xlane vm1;
	v11 =	vadd.s32 v9, v7;
	v7 =	vsub.s32 v16, v22;
	v13, _, _ =	vpop (xrf0);
	[tilespmem:v19+s10+$0x0] =	vst.idx.msk $0xffff, v25  }
.Ltmp7:
0xef: {  	v14 =	vadd.s32 v11, v22;
	v21 =	vsub.s32 v7, v10;
	v25 =	vmpcnt.ones.xlane vm6;
	v15, _, _ =	vpop (xrf0);
	[tilespmem:v20+s10+$0x0] =	vst.idx.msk $0xffff, v0;
	(pc) =	sbr.rel @p0 .LBB2_7-.Ltmp7, $4  }
0xf0: {  	v19 =	vadd.s32 v14, v10;
	v18 =	vsub.s32 v7, v15;
	v7 =	vsub.s32 v21, v17;
	v20, _, _ =	vpop (xrf0)  }
0xf1: {  	v23 =	vsub.s32 v21, v20;
	v21 =	vadd.s32 v19, v17;
	v10 =	vsub.s32 v7, v25;
	v22, _, _ =	vpop (xrf0)  }
0xf2: {  	v27 =	vsub.s32 v7, v22;
	v7 =	vadd.s32 v21, v25;
	v10 =	vadd.s32 $0x80, v10;
	v17, _, _ =	vpop (xrf0)  }
0xf3: {  	s20 =	sadd.s32 $0x400, s20;
	v24 =	vsub.s32 v24, v12;
	v25 =	vsub.s32 v26, v13;
	v26 =	vsub.s32 v28, v4  }
0xf4: {  	v1 =	vsub.s32 v16, v6  }
0xf5: {  	v7 =	vadd.s32 $0x60, v23;
	v10 =	vadd.s32 $0x70, v27;
	v49 =	vadd.s32 $0x50, v18  }
0xf6: {  	v50 =	vadd.s32 v19, v20;
	v51 =	vadd.s32 v21, v22;
	v52 =	vadd.s32 $0x10, v24  }
0xf7: {  	v53 =	vadd.s32 $0x20, v25;
	v54 =	vadd.s32 $0x30, v26;
	v10 =	vsel vm6, v51, v10  }
0xf8: {  	v2 =	vadd.s32 v2, v17;
	v14 =	vadd.s32 v14, v15;
	v7 =	vsel vm1, v50, v7  }
0xf9: {  	v5 =	vadd.s32 v5, v12;
	v8 =	vadd.s32 v8, v13;
	v55 =	vsel vm5, v14, v49  }
0xfa: {  	v0 =	vadd.s32 $0x80, v0;
	v4 =	vadd.s32 v9, v4;
	v5 =	vsel vm3, v5, v52  }
0xfb: {  	v57 =	vadd.s32 v11, v6;
	v8 =	vsel vm4, v8, v53;
	v56 =	vadd.s32 $0x70, v0  }
0xfc: {  	v3 =	vsub.s32 v3, v17;
	v4 =	vsel vm7, v4, v54;
	v58 =	vadd.s32 $0x60, v0;
	[tilespmem:v10+s10+$0x0] =	vst.idx.msk $0xffff, v56  }
0xfd: {  	v1 =	vadd.s32 $0x40, v1;
	v59 =	vadd.s32 $0x50, v0;
	v2 =	vsel vm0, v2, v3;
	[tilespmem:v7+s10+$0x0] =	vst.idx.msk $0xffff, v58  }
0xfe: {  	v60 =	vadd.s32 $0x10, v0;
	v1 =	vsel vm2, v57, v1;
	[tilespmem:v55+s10+$0x0] =	vst.idx.msk $0xffff, v59  }
0xff: {  	v61 =	vadd.s32 $0x20, v0;
	[tilespmem:v5+s10+$0x0] =	vst.idx.msk $0xffff, v60  }
.Ltmp8:
0x100: {  	s19 =	sshll.u32 s17, $0x4;
	v62 =	vadd.s32 $0x30, v0;
	[tilespmem:v8+s10+$0x0] =	vst.idx.msk $0xffff, v61;
	(pc) =	sbr.rel .LBB2_9-.Ltmp8, $4  }
0x101: {  	s18 =	sshll.u32 s18, $0xA;
	s19 =	sand.u32 $0x70, s19;
	[tilespmem:v4+s10+$0x0] =	vst.idx.msk $0xffff, v62  }
0x102: {  	v63 =	vadd.s32 $0x40, v0;
	s18 =	sand.u32 $0xFFFE000, s18;
	s19 =	sadd.s32 s2, s19;
	[tilespmem:v2+s10+$0x0] =	vst.idx.msk $0xffff, v0  }
0x103: {  	s18 =	sadd.s32 s18, s19;
	[tilespmem:v1+s10+$0x0] =	vst.idx.msk $0xffff, v63  }
0x104: {  	[hbm4b:s18+s11] =	stream.strided.scatter [tilespmem:s10], [sflag:$0x2], $0x2000, s12, s11, $0x38;
	[tilespmem:$0x7000] =	vst v63  }
.LBB2_11:
0x105: {  	_ =	sfence.sel $0x180000  }
0x106: {  	[bflag:$0x0] =	sbarrier.arrive $0xFFFF  }
0x107: {  	p0 =	sne.s32 s1, $0x0;
	_ =	strace $0x9000004A  }
0x108: {  	s0 =	sadd.s32 @!p0 $0x100000, s0;
	[bflag:$0x2] =	sbarrier.arrive $0xFFFF  }
0x109: {  	[sflag:s0] =	ssyncadd.tile.s32 @!p0 $0x1;
	_ =	shalt  }
.Lfunc_end2:
_tile_overlayer_lowered:
.L_overlay_start_2:
0x10a: {  	(tag) =	ssettag $0x2  }
0x10b: {  	s0 =	rddreg [dreg:$0x0];
	s2 =	stileid.u32  }
0x10c: {  	s1 =	rddreg [dreg:$0x1];
	p0 =	sne.s32 s2, $0x0  }
0x10d: {  	s3 =	rddreg [dreg:$0x2];
	[bflag:$0x3] =	sbarrier.arrive $0xFFFF;
	s2 =	simm.s32 @!p0 $0x1C03  }
0x10e: {  	[timem:s3], [sflag:s2] =	dma.local @!p0 [hbm:s0], s1  }
0x10f: {  	s0 =	simm.s32 @!p0 $0x3  }
0x110: {  	_ =	swait.ge @!p0 [sflag:s0], s1  }
0x111: {  	s1 =	ssub.s32 @!p0 $0x0, s1;
	[sflag:s0] =	ssyncset.done @!p0 $0x0  }
0x112: {  	[sflag:s0] =	ssyncadd.s32 @!p0 s1  }
0x113: {  	[bflag:$0x3] =	sbarrier.arrive $0xFFFF  }
0x114: {  	_ =	shalt  }

// kernel: kernel.7.cloned.1.call-start
scs
__scs_entry_jumppad:
0x0: {  	(pc) =	sbr.rel $0x88, $3  }
0x1: {  	(tag) =	ssettag $0x0;
	lr =	simm.s32 $0x1  }
0x2: {  	[smem:$0x3F9F] =	sst lr;
	_ =	strace $0xD0000000  }
0x3: {  	_ = 	snop  }
0x4: {  	_ = 	snop  }
0x5: {  	_ = 	snop  }
0x6: {  	_ = 	snop  }
0x7: {  	_ = 	snop  }
__scs_overlays_trampoline_lowered:
0x8: {  	[smem:$0x3FAE] =	sst s0  }
0x9: {  	[smem:$0x3FAF] =	sst s1  }
0xa: {  	[smem:$0x3FB0] =	sst s2  }
0xb: {  	[smem:$0x3FB1] =	sst s3  }
0xc: {  	[smem:$0x3FB2] =	sst s4  }
0xd: {  	[smem:$0x3FB3] =	sst s5  }
0xe: {  	[smem:$0x3FB4] =	sst s6  }
0xf: {  	[smem:$0x3FB5] =	sst s7  }
0x10: {  	[smem:$0x3FB6] =	sst s8  }
0x11: {  	[smem:$0x3FB7] =	sst s9;
	s0 =	simm.s32 @!p0 $0x0  }
0x12: {  	s1 =	sld [smem:$0x3F9D];
	s0 =	simm.s32 @p0 $0x1  }
0x13: {  	[smem:$0x3FB8] =	sst s0;
	s0 =	simm.s32 @!p1 $0x0  }
0x14: {  	s2 =	sld [smem:$0x3F9C];
	s0 =	simm.s32 @p1 $0x1  }
0x15: {  	[smem:$0x3FB9] =	sst s0;
	s0 =	simm.s32 @!p2 $0x0  }
0x16: {  	s3 =	sld [smem:$0x3FDB];
	s0 =	simm.s32 @p2 $0x1  }
0x17: {  	s4 =	simm.s32 $0x1BF5;
	[smem:$0x3FBB] =	sst s0  }
0x18: {  	s0 =	sld [smem:$0x3F9E];
	_ =	swait.ge [sflag:s4], $0x0  }
0x19: {  	s7 =	sld [smem:$0x3F9F]  }
0x1a: {  	s8 =	sadd.s32 $0xFFFFE003, lr  }
0x1b: {  	s9 =	sadd.s32 $0xFFFFFEF7, lr;
	s5 =	simm.s32 $0xFFFFFFFF;
	p2 =	slt.u32 s8, $0xFFFFF086  }
0x1c: {  	p1 =	slt.u32 s9, $0xF7A;
	s5 =	simm.s32 @!p2 $0x0  }
0x1d: {  	s5 =	simm.s32 @p1 $0x1;
	p0 =	seq.s32 s7, s2  }
0x1e: {  	s7 =	smul.u32 @!p0 $0xF7A, s2;
	p2 =	seq.s32 @!p0 s5, $0x0  }
0x1f: {  	s9 =	smul.u32 $0xF7A, s1;
	s8 =	simm.s32 @!p0 $0x1BF5;
	p2 =	por !p2, p0  }
0x20: {  	[sflag:s8] =	ssyncset.s32 @!p0 $0xFFFFF086;
	s6 =	sadd.s32 @!p0 s3, s7;
	s7 =	simm.s32 @!p0 $0x108  }
0x21: {  	s3 =	sadd.s32 s3, s9;
	s6 =	sadd.s32 @!p0 $0x88, s6;
	s7 =	simm.s32 @p2 $0x1082  }
0x22: {  	[simem:s7], [sflag:s8] =	dma.local @!p0 [hbm:s6], $0xF7A  }
0x23: {  	s9 =	sor.u32 $0xD0000000, s2;
	s6 =	simm.s32 $0x108;
	_ =	swait.ge @!p0 [sflag:s8], $0x0  }
0x24: {  	s3 =	sadd.s32 $0x88, s3;
	s6 =	simm.s32 @!p1 $0x1082;
	[sflag:s4] =	ssyncset.s32 $0xFFFFF086  }
0x25: {  	[simem:s6], [sflag:s4] =	dma.local [hbm:s3], $0xF7A  }
0x26: {  	[smem:$0x3F9F] =	sst s1;
	(tag) =	ssettag s2;
	_ =	strace s9  }
0x27: {  	s1 =	sld [smem:$0x3FAF]  }
0x28: {  	s2 =	sld [smem:$0x3FB0]  }
0x29: {  	s4 =	sld [smem:$0x3FB2]  }
0x2a: {  	p0 =	seq.s32 s5, $0x0;
	s5 =	sld [smem:$0x3FB3]  }
0x2b: {  	s6 =	sld [smem:$0x3FB4]  }
0x2c: {  	s7 =	sld [smem:$0x3FB5]  }
0x2d: {  	s3 =	simm.s32 $0x108;
	s8 =	sld [smem:$0x3FB6]  }
0x2e: {  	s3 =	simm.s32 @!p0 $0x1082;
	s9 =	sld [smem:$0x3FB7]  }
0x2f: {  	lr =	sadd.s32 s0, s3;
	s0 =	sld [smem:$0x3FAE]  }
0x30: {  	s3 =	sld [smem:$0x3FB1]  }
0x31: {  	[smem:$0x3FBA] =	sst s10  }
0x32: {  	s10 =	sld [smem:$0x3FB8];
	_ =	sdelay $0x3  }
0x33: {  	p0 =	seq.s32 s10, $0x1;
	s10 =	sld [smem:$0x3FBA];
	_ =	sdelay $0x3  }
0x34: {  	[smem:$0x3FBA] =	sst s10  }
0x35: {  	s10 =	sld [smem:$0x3FB9];
	_ =	sdelay $0x3  }
0x36: {  	p1 =	seq.s32 s10, $0x1;
	s10 =	sld [smem:$0x3FBA];
	_ =	sdelay $0x3  }
0x37: {  	[smem:$0x3FBA] =	sst s10  }
0x38: {  	s10 =	sld [smem:$0x3FBB]  }
0x39: {  	_ = 	snop;
	(pc) =	sbr.ind lr, $3  }
0x3a: {  	_ = 	snop  }
0x3b: {  	_ = 	snop  }
0x3c: {  	p2 =	seq.s32 s10, $0x1;
	s10 =	sld [smem:$0x3FBA]  }
0x3d: {  	_ =	shalt  }
0x3e: {  	_ =	shalt  }
0x3f: {  	_ =	shalt  }
0x40: {  	_ =	shalt  }
0x41: {  	_ =	shalt  }
0x42: {  	_ =	shalt  }
0x43: {  	_ =	shalt  }
0x44: {  	_ =	shalt  }
0x45: {  	_ =	shalt  }
0x46: {  	_ =	shalt  }
0x47: {  	_ =	shalt  }
0x48: {  	_ =	shalt  }
0x49: {  	_ =	shalt  }
0x4a: {  	_ =	shalt  }
0x4b: {  	_ =	shalt  }
0x4c: {  	_ =	shalt  }
0x4d: {  	_ =	shalt  }
0x4e: {  	_ =	shalt  }
0x4f: {  	_ =	shalt  }
0x50: {  	_ =	shalt  }
0x51: {  	_ =	shalt  }
0x52: {  	_ =	shalt  }
0x53: {  	_ =	shalt  }
0x54: {  	_ =	shalt  }
0x55: {  	_ =	shalt  }
0x56: {  	_ =	shalt  }
0x57: {  	_ =	shalt  }
0x58: {  	_ =	shalt  }
0x59: {  	_ =	shalt  }
0x5a: {  	_ =	shalt  }
0x5b: {  	_ =	shalt  }
0x5c: {  	_ =	shalt  }
0x5d: {  	_ =	shalt  }
0x5e: {  	_ =	shalt  }
0x5f: {  	_ =	shalt  }
0x60: {  	_ =	shalt  }
0x61: {  	_ =	shalt  }
0x62: {  	_ =	shalt  }
0x63: {  	_ =	shalt  }
0x64: {  	_ =	shalt  }
0x65: {  	_ =	shalt  }
0x66: {  	_ =	shalt  }
0x67: {  	_ =	shalt  }
0x68: {  	_ =	shalt  }
0x69: {  	_ =	shalt  }
0x6a: {  	_ =	shalt  }
0x6b: {  	_ =	shalt  }
0x6c: {  	_ =	shalt  }
0x6d: {  	_ =	shalt  }
0x6e: {  	_ =	shalt  }
0x6f: {  	_ =	shalt  }
0x70: {  	_ =	shalt  }
0x71: {  	_ =	shalt  }
0x72: {  	_ =	shalt  }
0x73: {  	_ =	shalt  }
0x74: {  	_ =	shalt  }
0x75: {  	_ =	shalt  }
0x76: {  	_ =	shalt  }
0x77: {  	_ =	shalt  }
0x78: {  	_ =	shalt  }
0x79: {  	_ =	shalt  }
0x7a: {  	_ =	shalt  }
0x7b: {  	_ =	shalt  }
0x7c: {  	_ =	shalt  }
0x7d: {  	_ =	shalt  }
0x7e: {  	_ =	shalt  }
0x7f: {  	_ =	shalt  }
0x80: {  	_ =	shalt  }
0x81: {  	_ =	shalt  }
0x82: {  	_ =	shalt  }
0x83: {  	_ =	shalt  }
0x84: {  	_ =	shalt  }
0x85: {  	_ =	shalt  }
0x86: {  	_ =	shalt  }
0x87: {  	_ =	shalt  }
.Lfunc_end0:
.L_simem_size_0:
called_computation_lowered:
.L_overlay_start_0:
0x88: {  	s2 =	sld [smem:$0x3FD9]  }
0x89: {  	s3 =	sld [smem:$0x3FFE];
	_ =	sdelay $0x1  }
0x8a: {  	s1 =	srdreg.scid  }
0x8b: {  	s0 =	sand.u32 $0x1, s1  }
0x8c: {  	s14 =	sshll.u32 s0, $0xA;
	s2 =	sadd.s32 s3, s2  }
0x8d: {  	s2 =	sadd.s32 s2, s14  }
0x8e: {  	[smem:$0x3FC6] =	sst s2  }
0x8f: {  	_ = 	snop  }
0x90: {  	s2 =	sld [smem:$0x3FD0];
	_ =	sdelay $0x2  }
0x91: {  	s15 =	simm.s32 $0xA;
	s4 =	simm.s32 $0x10  }
0x92: {  	[smem:s4], [sflag:s15] =	dma.local [hbm:s2], $0x1  }
0x93: {  	_ =	swait.eq [sflag:s15], $0x1  }
0x94: {  	[sflag:s15] =	ssyncset.done $0x0  }
0x95: {  	s16 =	sld [smem:$0x10];
	[sflag:s15] =	ssyncadd.s32 $0xFFFFFFFF  }
0x96: {  	s17 =	sld [smem:$0x13];
	(tm) =	ssettm $0x1  }
0x97: {  	s18 =	sld [smem:$0x3FFB];
	_ =	sdelay $0x3  }
0x98: {  	_ =	strace s18  }
0x99: {  	s4 =	sld [smem:$0x3FFC];
	_ =	sdelay $0x3  }
0x9a: {  	_ =	strace s4  }
0x9b: {  	s4 =	sld [smem:$0x3FFD];
	_ =	sdelay $0x3  }
0x9c: {  	_ =	strace s4  }
0x9d: {  	_ =	strace $0x8FFFFFFF  }
0x9e: {  	s19 =	sld [smem:$0x3FDB];
	_ =	sdelay $0x1  }
0x9f: {  	s5 =	simm.s32 $_scs_section_size  }
0xa0: {  	s6 =	simm.s32 $_size__tile_overlayer_lowered;
	s7 =	simm.s32 $_tile_overlayer_lowered  }
0xa1: {  	s22 =	simm.s32 $0x1BFF;
	s21 =	sshll.u32 s7, $0x1;
	s4 =	sadd.s32 s5, s19  }
0xa2: {  	s8 =	simm.s32 $0x0;
	s20 =	sshll.u32 s6, $0x1;
	s6 =	sadd.s32 s21, s4  }
0xa3: {  	[timem:s8], [sflag:s22] =	dma.local [hbm:s6], s20  }
0xa4: {  	_ =	swait.ge [sflag:s22], s20  }
0xa5: {  	s5 =	ssub.s32 $0x0, s20;
	[sflag:s22] =	ssyncset.done $0x0  }
0xa6: {  	[sflag:s22] =	ssyncadd.s32 s5;
	_ =	sdelay $0x1  }
0xa7: {  	s23 =	simm.s32 $0x1B8B  }
0xa8: {  	_ =	swait.ge [sflag:s23], $0x1  }
0xa9: {  	[sflag:s23] =	ssyncset.done $0x0  }
0xaa: {  	s25 =	simm.s32 $0x1B8E;
	s24 =	sld [smem:$0x3FFE];
	[sflag:s23] =	ssyncadd.s32 $0xFFFFFFFF  }
0xab: {  	s26 =	simm.s32 $execute0_lowered;
	[smem:$0x3FD2] =	sst s25  }
0xac: {  	s6 =	sshll.u32 s26, $0x1;
	_ =	strace $0x80000046;
	[dreg:$0x1] =	wrdreg $0xFFFFFFFF  }
0xad: {  	s28 =	simm.s32 $_size_execute0_lowered;
	s4 =	sadd.s32 s4, s6;
	[dreg:$0x0] =	wrdreg $0x0  }
0xae: {  	s6 =	sshll.u32 s28, $0x1;
	[dreg:$0x2] =	wrdreg s4  }
0xaf: {  	[dreg:$0x3] =	wrdreg s6  }
0xb0: {  	[dreg:$0x4] =	wrdreg $0xC0  }
0xb1: {  	_ =	task [dreg:s8], $0x5FFFF  }
0xb2: {  	[dreg:$0x1] =	wrdreg $0xFFFFFFFF  }
0xb3: {  	[dreg:$0x0] =	wrdreg $0x60  }
0xb4: {  	[dreg:$0x2] =	wrdreg s17  }
0xb5: {  	[dreg:$0x3] =	wrdreg s24  }
0xb6: {  	[dreg:$0x4] =	wrdreg s16  }
0xb7: {  	[dreg:$0x5] =	wrdreg $0x9  }
0xb8: {  	_ =	task.clear_ibuf [dreg:s8], $0x6FFFF;
	_ =	strace $0x90000046  }
0xb9: {  	s29 =	simm.s32 $0x9;
	_ =	strace $0x80000048  }
0xba: {  	_ =	swait.ge [sflag:s29], $0x1  }
0xbb: {  	[sflag:s29] =	ssyncadd.s32 $0xFFFFFFFF  }
0xbc: {  	_ =	strace $0x90000048  }
0xbd: {  	_ =	sfence  }
0xbe: {  	s30 =	sld [smem:$0x0];
	_ =	sdelay $0x2  }
0xbf: {  	s31 =	sshll.u32 s1, $0xD;
	s1 =	sshrl.u32 s1, $0x2  }
0xc0: {  	s3 =	sand.u32 $0x4000, s31;
	s1 =	sadd.s32 s1, s30  }
0xc1: {  	s0 =	sor.u32 s3, s0;
	s1 =	sshll.u32 s1, $0x11  }
0xc2: {  	s0 =	sor.u32 s1, s0  }
0xc3: {  	s0 =	sadd.s32 $0x8F2B, s0  }
0xc4: {  	[sflag:s0] =	ssyncadd.remote.s32 $0x1  }
0xc5: {  	_ =	sfence.sel $0xFFFF  }
0xc6: {  	[dreg:$0x0] =	wrdreg $0xFFFFFFFF;
	(pc) =	sbr.abs _section_cstart, $3  }
0xc7: {  	[dreg:$0x1] =	wrdreg $0xFFFFFFFF  }
0xc8: {  	_ =	task.clear_ibuf [dreg:s8], $0x2FFFF;
	_ =	strace $0x9FFFFFFF  }
0xc9: {  	(tm) =	ssettm $0x7FFFFFFF  }
tec
execute0_lowered:
.L_overlay_start_1:
0x0: {  	(tag) =	ssettag $0x1  }
0x1: {  	s5 =	rddreg [dreg:$0x0]  }
0x2: {  	s6 =	rddreg [dreg:$0x1]  }
0x3: {  	s2 =	rddreg [dreg:$0x2]  }
0x4: {  	s3 =	srdreg.scid;
	s0 =	rddreg [dreg:$0x3]  }
0x5: {  	s1 =	stileid.u32;
	s10 =	simm.s32 $0x5000;
	s11 =	simm.s32 $0x80  }
0x6: {  	s12 =	simm.s32 $0x400;
	s13 =	simm.s32 $0x1;
	s14 =	simm.s32 $0x2  }
0x7: {  	s15 =	simm.s32 $0x3000;
	s16 =	simm.s32 $0x0;
	s7 =	sand.u32 $0x1, s3  }
0x8: {  	s3 =	simm.s32 $0x0;
	s4 =	sshll.u32 s1, $0x6;
	s8 =	sshll.u32 s7, $0x5  }
.Ltmp0:
0x9: {  	[smem:$0x7FF] =	sst s3;
	s7 =	ssub.s32 $0x2, s7;
	(pc) =	sbr.rel .LBB2_1-.Ltmp0, $4  }
0xa: {  	s4 =	sor.u32 s8, s4;
	_ =	strace $0x80000047;
	s9 =	sshrl.u32 s7, $0x1  }
0xb: {  	s8 =	sshll.u32 s4, $0x4;
	s7 =	ssub.s32 s7, s9;
	s31 =	sshll.u32 s4, $0x5  }
0xc: {  	s9 =	simm.s32 $0x2000;
	s6 =	sadd.s32 s8, s6;
	s5 =	sadd.s32 s5, s31  }
0xd: {  	s7 =	smax.u32 s7, $0x1;
	s8 =	simm.s32 $0x3;
	s6 =	sadd.s32 $0x100E00, s6  }
.LBB2_10:
0xe: {  	s16 =	sadd.s32 $0x1, s16  }
0xf: {  	_ =	swait.ge [sflag:s13], $0x2000;
	p0 =	sne.s32 s16, s7  }
.Ltmp1:
0x10: {  	[sflag:s13] =	ssyncset.done $0x0;
	(pc) =	sbr.rel @!p0 .LBB2_11-.Ltmp1, $4  }
0x11: {  	[sflag:s13] =	ssyncadd.s32 $0xFFFFE000  }
0x12: {  	_ =	swait.ge [sflag:s14], $0x2000  }
0x13: {  	[sflag:s14] =	ssyncset.done $0x0  }
0x14: {  	[sflag:s14] =	ssyncadd.s32 $0xFFFFE000  }
.LBB2_1:
0x15: {  	[tilespmem:s3], [sflag:$0x3] =	stream.linear.gather [hbm4b:s5+s3], $0x2000, $0x38;
	[tilespmem:$0x7000] =	vst v63  }
0x16: {  	_ =	swait.ge [sflag:s8], $0x2000  }
0x17: {  	[sflag:s8] =	ssyncset.done $0x0  }
.Ltmp2:
0x18: {  	[sflag:s8] =	ssyncadd.s32 $0xFFFFE000;
	(pc) =	sbr.rel .LBB2_2-.Ltmp2, $4  }
0x19: {  	[tilespmem:s9], [sflag:$0x3] =	stream.linear.gather [hbm4b:s6+s3], $0x1000, $0x38;
	[tilespmem:$0x7000] =	vst v63  }
0x1a: {  	_ =	swait.ge [sflag:s8], $0x1000  }
0x1b: {  	[sflag:s8] =	ssyncset.done $0x0  }
0x1c: {  	s17 =	simm.s32 $0x0;
	[sflag:s8] =	ssyncadd.s32 $0xFFFFF000  }
.LBB2_9:
0x1d: {  	s17 =	sadd.s32 $0x1, s17  }
0x1e: {  	p0 =	sne.s32 s17, $0x20  }
.Ltmp3:
0x1f: {  	_ = 	snop;
	(pc) =	sbr.rel @!p0 .LBB2_10-.Ltmp3, $1  }
0x20: {  	_ =	sdelay $0x3  }
.LBB2_2:
0x21: {  	s19 =	sand.u32 $0x1, s17  }
0x22: {  	p0 =	seq.s32 s19, $0x1  }
.Ltmp4:
0x23: {  	_ = 	snop;
	(pc) =	sbr.rel @p0 .LBB2_6-.Ltmp4, $2  }
0x24: {  	_ =	sdelay $0x2  }
0x25: {  	s18 =	sor.u32 s4, s17  }
0x26: {  	s20 =	sshll.u32 s17, $0x7;
	s21 =	sshll.u32 s17, $0x8  }
0x27: {  	s21 =	sand.u32 $0x1800, s21;
	s22 =	sand.u32 $0x300, s20  }
0x28: {  	p0 =	slt.u32 s17, $0x2;
	s21 =	sor.u32 s22, s21  }
0x29: {  	v1 =	vmov s21;
	s21 =	simm.s32 @!p0 $0x1  }
0x2a: {  	_ =	swait.ge @!p0 [sflag:s21], $0x2000  }
0x2b: {  	[sflag:s21] =	ssyncset.done @!p0 $0x0  }
0x2c: {  	s26 =	simm.s32 $0x0;
	s20 =	sand.u32 $0x3FFFFF80, s20;
	[sflag:s21] =	ssyncadd.s32 @!p0 $0xFFFFE000  }
0x2d: {  	s28 =	sand.u32 $0x400, s26;
	v2 =	vld [tilespmem:s20+$0x2000]  }
0x2e: {  	v3 =	vld.idx.msk [tilespmem:v1+s28+$0x30 ss:$0x1], $0xffff  }
0x2f: {  	v4 =	vld.idx.msk [tilespmem:v1+s28+$0x40 ss:$0x1], $0xffff  }
0x30: {  	v5 =	vld.idx.msk [tilespmem:v1+s28+$0x50 ss:$0x1], $0xffff  }
0x31: {  	v6 =	vld.idx.msk [tilespmem:v1+s28+$0x60 ss:$0x1], $0xffff  }
0x32: {  	v7 =	vld.idx.msk [tilespmem:v1+s28+$0x70 ss:$0x1], $0xffff  }
0x33: {  	v8 =	vld.idx.msk [tilespmem:v1+s28+$0x20 ss:$0x1], $0xffff  }
0x34: {  	v9 =	vld.idx.msk [tilespmem:v1+s28+$0x10 ss:$0x1], $0xffff  }
0x35: {  	v10 =	vld.idx.msk [tilespmem:v1+s28+$0x0 ss:$0x1], $0xffff  }
0x36: {  	v0 =	vlaneseq.u32;
	s29 =	simm.s32 $0x0  }
0x37: {  	v12 =	vimm.s32 $0xFFFFFFFF;
	v11 =	vadd.s32 v0, v2;
	v2 =	vshrl.u32 v3, s29  }
0x38: {  	v3 =	vshrl.u32 v4, s29;
	v4 =	vshrl.u32 v5, s29;
	v5 =	vshrl.u32 v6, s29  }
0x39: {  	v6 =	vshrl.u32 v9, s29;
	v8 =	vshrl.u32 v8, s29;
	v7 =	vshrl.u32 v7, s29  }
0x3a: {  	v9 =	vshrl.u32 v10, s29;
	v2 =	vand.u32 $0x1, v2;
	v3 =	vand.u32 $0x1, v3  }
0x3b: {  	v4 =	vand.u32 $0x1, v4;
	v5 =	vand.u32 $0x1, v5;
	v7 =	vand.u32 $0x1, v7  }
0x3c: {  	v9 =	vand.u32 $0x1, v9;
	v6 =	vand.u32 $0x1, v6;
	v8 =	vand.u32 $0x1, v8;
	(xrf0) =	vadd.scan.msk.s32 $0xffff, v2  }
0x3d: {  	vm0 =	veq.s32 v9, $0x1;
	vm1 =	veq.s32 v5, $0x1;
	vm2 =	veq.s32 v7, $0x1;
	(xrf0) =	vadd.scan.msk.s32 $0xffff, v3  }
0x3e: {  	vm4 =	veq.s32 v6, $0x1;
	vm6 =	veq.s32 v8, $0x1;
	vm3 =	veq.s32 v3, $0x1;
	(xrf0) =	vadd.scan.msk.s32 $0xffff, v6  }
0x3f: {  	vm7 =	veq.s32 v2, $0x1;
	v10 =	vmpcnt.ones.xlane vm0;
	v3 =	vmpcnt.ones.xlane vm6;
	(xrf0) =	vadd.scan.msk.s32 $0xffff, v8  }
0x40: {  	vm5 =	veq.s32 v4, $0x1;
	v2 =	vmpcnt.ones.xlane vm7;
	v6 =	vmpcnt.ones.xlane vm4;
	(xrf0) =	vadd.scan.msk.s32 $0xffff, v4  }
0x41: {  	v13 =	vmpcnt.ones.xlane vm3;
	v4 =	vsub.s32 v11, v10;
	(xrf0) =	vadd.scan.msk.s32 $0xffff, v5;
	v5 =	vadd.s32 v12, v10  }
0x42: {  	v19 =	vmpcnt.ones.xlane vm1;
	v8 =	vsub.s32 v4, v6;
	v6 =	vadd.s32 v5, v6  }
0x43: {  	v22 =	vmpcnt.ones.xlane vm2;
	v10, _, _ =	vpop (xrf0);
	(xrf0) =	vadd.scan.msk.s32 $0xffff, v7;
	v7 =	vsub.s32 v8, v3;
	v15 =	vadd.s32 v6, v3  }
0x44: {  	v14, _, _ =	vpop (xrf0);
	v16 =	vsub.s32 v7, v2;
	v3 =	vmpcnt.ones.xlane vm5;
	v7 =	vsub.s32 v7, v10  }
0x45: {  	v18 =	vadd.s32 v15, v2;
	v2 =	vsub.s32 v16, v13;
	v16 =	vsub.s32 v16, v14  }
0x46: {  	v17, _, _ =	vpop (xrf0);
	v7 =	vadd.s32 $0x30, v7;
	v10 =	vadd.s32 v15, v10;
	v13 =	vadd.s32 v18, v13  }
0x47: {  	s30 =	simm.s32 $0x400;
	v21 =	vsub.s32 v2, v3;
	v4 =	vsub.s32 v4, v17;
	v16 =	vadd.s32 $0x40, v16  }
0x48: {  	s20 =	sand.u32 $0x400, s30;
	v20, _, _ =	vpop (xrf0);
	v5 =	vadd.s32 v5, v17;
	v14 =	vadd.s32 v18, v14;
	v7 =	vsel vm7, v10, v7  }
0x49: {  	v28 =	vld.idx.msk [tilespmem:v1+s20+$0x50 ss:$0x1], $0xffff;
	v23, _, _ =	vpop (xrf0);
	v24 =	vadd.s32 v13, v3;
	v8 =	vsub.s32 v8, v20;
	v4 =	vadd.s32 $0x10, v4  }
0x4a: {  	(xrf0) =	vadd.scan.msk.s32 $0xffff, v9;
	v6 =	vadd.s32 v6, v20;
	v9 =	vsub.s32 v2, v23;
	v2 =	vsub.s32 v21, v19  }
0x4b: {  	v17 =	vld.idx.msk [tilespmem:v1+s20+$0x70 ss:$0x1], $0xffff;
	v25, _, _ =	vpop (xrf0);
	v19 =	vadd.s32 v24, v19;
	v8 =	vadd.s32 $0x20, v8;
	v13 =	vadd.s32 v13, v23  }
0x4c: {  	v18 =	vld.idx.msk [tilespmem:v1+s20+$0x20 ss:$0x1], $0xffff;
	v4 =	vsel vm4, v5, v4;
	v21 =	vsub.s32 v21, v25;
	v3 =	vsub.s32 v2, v22  }
0x4d: {  	v23 =	vld.idx.msk [tilespmem:v1+s20+$0x60 ss:$0x1], $0xffff;
	v26, _, _ =	vpop (xrf0);
	v9 =	vadd.s32 $0x50, v9;
	v24 =	vadd.s32 v24, v25;
	v6 =	vsel vm6, v6, v8  }
0x4e: {  	v8 =	vld.idx.msk [tilespmem:v1+s20+$0x0 ss:$0x1], $0xffff;
	v27 =	vsub.s32 v2, v26;
	v21 =	vadd.s32 $0x60, v21;
	v5 =	vsel vm5, v13, v9  }
0x4f: {  	v2 =	vadd.s32 v19, v22;
	v19 =	vadd.s32 v19, v26;
	v26 =	vld.idx.msk [tilespmem:v1+s20+$0x40 ss:$0x1], $0xffff;
	v9 =	vsel vm1, v24, v21  }
0x50: {  	v10 =	vsel vm3, v14, v16;
	v14 =	vadd.s32 $0x20, v0;
	v13 =	vld.idx.msk [tilespmem:v1+s20+$0x10 ss:$0x1], $0xffff;
	v22 =	vadd.s32 $0x70, v27  }
0x51: {  	s31 =	simm.s32 $0x0;
	v16 =	vadd.s32 $0x60, v0;
	v20 =	vadd.s32 $0x50, v0;
	v27 =	vld.idx.msk [tilespmem:v1+s20+$0x30 ss:$0x1], $0xffff;
	v15 =	vsel vm2, v19, v22  }
0x52: {  	v3 =	vadd.s32 $0x80, v3;
	v17 =	vshrl.u32 v17, s31;
	v19 =	vadd.s32 $0x30, v0;
	v25, _, _ =	vpop (xrf0)  }
0x53: {  	v21 =	vshrl.u32 v23, s31;
	v12 =	vadd.s32 v12, v25;
	v11 =	vsub.s32 v11, v25;
	[tilespmem:v5+s15+$0x0] =	vst.idx.msk $0xffff, v20  }
0x54: {  	v24 =	vsel vm0, v12, v11;
	v11 =	vadd.s32 $0x10, v0;
	v12 =	vadd.s32 $0x70, v0;
	[tilespmem:v9+s15+$0x0] =	vst.idx.msk $0xffff, v16  }
0x55: {  	v5 =	vshrl.u32 v13, s31;
	v13 =	vshrl.u32 v18, s31;
	v9 =	vshrl.u32 v26, s31;
	[tilespmem:v4+s15+$0x0] =	vst.idx.msk $0xffff, v11  }
0x56: {  	v16 =	vshrl.u32 v28, s31;
	v4 =	vshrl.u32 v8, s31;
	[tilespmem:v15+s15+$0x0] =	vst.idx.msk $0xffff, v12;
	v12 =	vshrl.u32 v27, s31  }
0x57: {  	[tilespmem:v7+s15+$0x0] =	vst.idx.msk $0xffff, v19;
	v15 =	vadd.s32 $0x40, v0;
	v9 =	vand.u32 $0x1, v9;
	v11 =	vand.u32 $0x1, v16  }
0x58: {  	[tilespmem:v6+s15+$0x0] =	vst.idx.msk $0xffff, v14;
	v16 =	vand.u32 $0x1, v17;
	v17 =	vand.u32 $0x1, v4;
	v8 =	vand.u32 $0x1, v12  }
0x59: {  	v4 =	vand.u32 $0x1, v5;
	v5 =	vand.u32 $0x1, v13;
	v12 =	vand.u32 $0x1, v21;
	(xrf0) =	vadd.scan.msk.s32 $0xffff, v8  }
0x5a: {  	vm0 =	veq.s32 v17, $0x1;
	vm6 =	veq.s32 v16, $0x1;
	vm3 =	veq.s32 v4, $0x1;
	(xrf0) =	vadd.scan.msk.s32 $0xffff, v9  }
0x5b: {  	vm5 =	veq.s32 v11, $0x1;
	vm4 =	veq.s32 v5, $0x1;
	v13 =	vmpcnt.ones.xlane vm0;
	(xrf0) =	vadd.scan.msk.s32 $0xffff, v4  }
0x5c: {  	vm2 =	veq.s32 v9, $0x1;
	vm1 =	veq.s32 v12, $0x1;
	v18 =	vmpcnt.ones.xlane vm3;
	(xrf0) =	vadd.scan.msk.s32 $0xffff, v5  }
0x5d: {  	vm7 =	veq.s32 v8, $0x1;
	v9 =	vmpcnt.ones.xlane vm4;
	v25 =	vsub.s32 v3, v13;
	(xrf0) =	vadd.scan.msk.s32 $0xffff, v11  }
0x5e: {  	v5 =	vadd.s32 v2, v13;
	v26 =	vsub.s32 v25, v18;
	v11 =	vmpcnt.ones.xlane vm7;
	(xrf0) =	vadd.scan.msk.s32 $0xffff, v12  }
0x5f: {  	v14 =	vmpcnt.ones.xlane vm2;
	v8 =	vadd.s32 v5, v18;
	v28 =	vsub.s32 v26, v9;
	v4, _, _ =	vpop (xrf0);
	(xrf0) =	vadd.scan.msk.s32 $0xffff, v16  }
0x60: {  	v9 =	vadd.s32 v8, v9;
	v16 =	vsub.s32 v28, v11;
	v6, _, _ =	vpop (xrf0);
	(xrf0) =	vadd.scan.msk.s32 $0xffff, v17;
	v17 =	vmpcnt.ones.xlane vm5  }
0x61: {  	[tilespmem:v10+s15+$0x0] =	vst.idx.msk $0xffff, v15;
	v29 =	vmpcnt.ones.xlane vm6;
	v11 =	vadd.s32 v9, v11;
	v7 =	vsub.s32 v16, v14;
	v12, _, _ =	vpop (xrf0)  }
0x62: {  	v21 =	vmpcnt.ones.xlane vm1;
	[tilespmem:v24+s15+$0x0] =	vst.idx.msk $0xffff, v0;
	v14 =	vadd.s32 v11, v14;
	v13, _, _ =	vpop (xrf0);
	v10 =	vsub.s32 v7, v17  }
0x63: {  	v19 =	vadd.s32 v14, v17;
	v24 =	vsub.s32 v25, v12;
	v15, _, _ =	vpop (xrf0);
	v25 =	vsub.s32 v26, v13  }
0x64: {  	v26 =	vsub.s32 v28, v4;
	v18 =	vsub.s32 v7, v15;
	v7 =	vsub.s32 v10, v21;
	v20, _, _ =	vpop (xrf0)  }
0x65: {  	v21 =	vadd.s32 v19, v21;
	v23 =	vsub.s32 v10, v20;
	v10 =	vsub.s32 v7, v29;
	v22, _, _ =	vpop (xrf0)  }
0x66: {  	s21 =	simm.s32 $0x800;
	s20 =	simm.s32 $0x8;
	v27 =	vsub.s32 v7, v22;
	v7 =	vadd.s32 v21, v29;
	v10 =	vadd.s32 $0x80, v10;
	v17, _, _ =	vpop (xrf0)  }
.LBB2_4:
0x67: {  	s22 =	sand.u32 $0x400, s21;
	v16 =	vsub.s32 v16, v6;
	v23 =	vadd.s32 $0x60, v23;
	v27 =	vadd.s32 $0x70, v27  }
0x68: {  	v18 =	vadd.s32 $0x50, v18;
	v19 =	vadd.s32 v19, v20;
	v20 =	vadd.s32 v21, v22;
	v28 =	vld.idx.msk [tilespmem:v1+s22+$0x30 ss:$0x1], $0xffff  }
0x69: {  	v22 =	vadd.s32 $0x10, v24;
	v24 =	vadd.s32 $0x20, v25;
	v25 =	vadd.s32 $0x30, v26;
	v21 =	vld.idx.msk [tilespmem:v1+s22+$0x40 ss:$0x1], $0xffff  }
0x6a: {  	v29 =	vadd.s32 v2, v17;
	v14 =	vadd.s32 v14, v15;
	v2 =	vmovc v7;
	v16 =	vadd.s32 $0x40, v16;
	v26 =	vld.idx.msk [tilespmem:v1+s22+$0x50 ss:$0x1], $0xffff  }
0x6b: {  	v3 =	vsub.s32 v3, v17;
	v5 =	vadd.s32 v5, v12;
	v8 =	vadd.s32 v8, v13;
	v15 =	vld.idx.msk [tilespmem:v1+s22+$0x60 ss:$0x1], $0xffff  }
0x6c: {  	v4 =	vadd.s32 v9, v4;
	v6 =	vadd.s32 v11, v6;
	v9 =	vsel vm6, v20, v27;
	v12 =	vld.idx.msk [tilespmem:v1+s22+$0x70 ss:$0x1], $0xffff  }
0x6d: {  	v5 =	vsel vm3, v5, v22;
	v13 =	vsel vm5, v14, v18;
	v14 =	vsel vm1, v19, v23;
	v11 =	vld.idx.msk [tilespmem:v1+s22+$0x20 ss:$0x1], $0xffff  }
0x6e: {  	v8 =	vsel vm4, v8, v24;
	v18 =	vsel vm7, v4, v25;
	v19 =	vsel vm2, v6, v16;
	v17 =	vld.idx.msk [tilespmem:v1+s22+$0x10 ss:$0x1], $0xffff  }
0x6f: {  	v0 =	vadd.s32 $0x80, v0;
	v20 =	vsel vm0, v29, v3;
	v3 =	vmov v10;
	v4 =	vld.idx.msk [tilespmem:v1+s22+$0x0 ss:$0x1], $0xffff  }
0x70: {  	s20 =	sadd.s32 $0x8, s20;
	v6 =	vadd.s32 $0x10, v0;
	v16 =	vadd.s32 $0x70, v0  }
0x71: {  	p0 =	slt.u32 s20, $0x1F8;
	v22 =	vadd.s32 $0x20, v0;
	v23 =	vadd.s32 $0x30, v0;
	v24 =	vadd.s32 $0x60, v0;
	s22 =	sshrl.u32 s20, $0x4;
	[tilespmem:v9+s15+$0x0] =	vst.idx.msk $0xffff, v16  }
0x72: {  	v25 =	vadd.s32 $0x40, v0;
	v9 =	vshrl.u32 v28, s22;
	v16 =	vadd.s32 $0x50, v0;
	[tilespmem:v14+s15+$0x0] =	vst.idx.msk $0xffff, v24  }
0x73: {  	v15 =	vshrl.u32 v15, s22;
	v14 =	vshrl.u32 v21, s22;
	v21 =	vshrl.u32 v26, s22;
	[tilespmem:v13+s15+$0x0] =	vst.idx.msk $0xffff, v16  }
0x74: {  	v12 =	vshrl.u32 v12, s22;
	v11 =	vshrl.u32 v11, s22;
	v13 =	vshrl.u32 v17, s22;
	[tilespmem:v5+s15+$0x0] =	vst.idx.msk $0xffff, v6  }
0x75: {  	v4 =	vshrl.u32 v4, s22;
	v5 =	vand.u32 $0x1, v9;
	v6 =	vand.u32 $0x1, v14;
	[tilespmem:v8+s15+$0x0] =	vst.idx.msk $0xffff, v22  }
0x76: {  	v12 =	vand.u32 $0x1, v12;
	v9 =	vand.u32 $0x1, v15;
	v8 =	vand.u32 $0x1, v21;
	(xrf0) =	vadd.scan.msk.s32 $0xffff, v5  }
0x77: {  	v11 =	vand.u32 $0x1, v11;
	v14 =	vand.u32 $0x1, v4;
	v4 =	vand.u32 $0x1, v13;
	(xrf0) =	vadd.scan.msk.s32 $0xffff, v6  }
0x78: {  	vm6 =	veq.s32 v12, $0x1;
	vm1 =	veq.s32 v9, $0x1;
	vm0 =	veq.s32 v14, $0x1;
	(xrf0) =	vadd.scan.msk.s32 $0xffff, v4  }
0x79: {  	vm3 =	veq.s32 v4, $0x1;
	vm5 =	veq.s32 v8, $0x1;
	v13 =	vmpcnt.ones.xlane vm0;
	(xrf0) =	vadd.scan.msk.s32 $0xffff, v11  }
0x7a: {  	vm4 =	veq.s32 v11, $0x1;
	vm2 =	veq.s32 v6, $0x1;
	v15 =	vmpcnt.ones.xlane vm3;
	(xrf0) =	vadd.scan.msk.s32 $0xffff, v8  }
0x7b: {  	vm7 =	veq.s32 v5, $0x1;
	v24 =	vsub.s32 v10, v13;
	v10 =	vmpcnt.ones.xlane vm4;
	(xrf0) =	vadd.scan.msk.s32 $0xffff, v9  }
0x7c: {  	v5 =	vadd.s32 v7, v13;
	v7 =	vmpcnt.ones.xlane vm7;
	v26 =	vsub.s32 v24, v15;
	v4, _, _ =	vpop (xrf0);
	(xrf0) =	vadd.scan.msk.s32 $0xffff, v12  }
0x7d: {  	v22 =	vmpcnt.ones.xlane vm2;
	v8 =	vadd.s32 v5, v15;
	v28 =	vsub.s32 v26, v10;
	(xrf0) =	vadd.scan.msk.s32 $0xffff, v14;
	v6, _, _ =	vpop (xrf0)  }
0x7e: {  	v9 =	vadd.s32 v8, v10;
	v10 =	vmpcnt.ones.xlane vm5;
	v16 =	vsub.s32 v28, v7;
	v12, _, _ =	vpop (xrf0);
	[tilespmem:v18+s15+$0x0] =	vst.idx.msk $0xffff, v23  }
0x7f: {  	v17 =	vmpcnt.ones.xlane vm1;
	v11 =	vadd.s32 v9, v7;
	v7 =	vsub.s32 v16, v22;
	v13, _, _ =	vpop (xrf0);
	[tilespmem:v19+s15+$0x0] =	vst.idx.msk $0xffff, v25  }
.Ltmp5:
0x80: {  	v14 =	vadd.s32 v11, v22;
	v21 =	vsub.s32 v7, v10;
	v25 =	vmpcnt.ones.xlane vm6;
	v15, _, _ =	vpop (xrf0);
	[tilespmem:v20+s15+$0x0] =	vst.idx.msk $0xffff, v0;
	(pc) =	sbr.rel @p0 .LBB2_4-.Ltmp5, $4  }
0x81: {  	v19 =	vadd.s32 v14, v10;
	v18 =	vsub.s32 v7, v15;
	v7 =	vsub.s32 v21, v17;
	v20, _, _ =	vpop (xrf0)  }
0x82: {  	v23 =	vsub.s32 v21, v20;
	v21 =	vadd.s32 v19, v17;
	v10 =	vsub.s32 v7, v25;
	v22, _, _ =	vpop (xrf0)  }
0x83: {  	v27 =	vsub.s32 v7, v22;
	v7 =	vadd.s32 v21, v25;
	v10 =	vadd.s32 $0x80, v10;
	v17, _, _ =	vpop (xrf0)  }
0x84: {  	s21 =	sadd.s32 $0x400, s21;
	v24 =	vsub.s32 v24, v12;
	v25 =	vsub.s32 v26, v13;
	v26 =	vsub.s32 v28, v4  }
0x85: {  	v1 =	vsub.s32 v16, v6  }
0x86: {  	v7 =	vadd.s32 $0x60, v23;
	v10 =	vadd.s32 $0x70, v27;
	v49 =	vadd.s32 $0x50, v18  }
0x87: {  	v50 =	vadd.s32 v19, v20;
	v51 =	vadd.s32 v21, v22;
	v52 =	vadd.s32 $0x10, v24  }
0x88: {  	v53 =	vadd.s32 $0x20, v25;
	v54 =	vadd.s32 $0x30, v26;
	v10 =	vsel vm6, v51, v10  }
0x89: {  	v2 =	vadd.s32 v2, v17;
	v14 =	vadd.s32 v14, v15;
	v7 =	vsel vm1, v50, v7  }
0x8a: {  	v5 =	vadd.s32 v5, v12;
	v8 =	vadd.s32 v8, v13;
	v55 =	vsel vm5, v14, v49  }
0x8b: {  	v0 =	vadd.s32 $0x80, v0;
	v4 =	vadd.s32 v9, v4;
	v5 =	vsel vm3, v5, v52  }
0x8c: {  	v57 =	vadd.s32 v11, v6;
	v8 =	vsel vm4, v8, v53;
	v56 =	vadd.s32 $0x70, v0  }
0x8d: {  	v3 =	vsub.s32 v3, v17;
	v4 =	vsel vm7, v4, v54;
	v58 =	vadd.s32 $0x60, v0;
	[tilespmem:v10+s15+$0x0] =	vst.idx.msk $0xffff, v56  }
0x8e: {  	v1 =	vadd.s32 $0x40, v1;
	v59 =	vadd.s32 $0x50, v0;
	v2 =	vsel vm0, v2, v3;
	[tilespmem:v7+s15+$0x0] =	vst.idx.msk $0xffff, v58  }
0x8f: {  	v60 =	vadd.s32 $0x10, v0;
	v1 =	vsel vm2, v57, v1;
	[tilespmem:v55+s15+$0x0] =	vst.idx.msk $0xffff, v59  }
0x90: {  	p0 =	seq.s32 s19, $0x0;
	v61 =	vadd.s32 $0x20, v0;
	[tilespmem:v5+s15+$0x0] =	vst.idx.msk $0xffff, v60  }
.Ltmp6:
0x91: {  	s20 =	sshll.u32 s17, $0x4;
	v62 =	vadd.s32 $0x30, v0;
	[tilespmem:v8+s15+$0x0] =	vst.idx.msk $0xffff, v61;
	(pc) =	sbr.rel @p0 .LBB2_9-.Ltmp6, $4  }
0x92: {  	s21 =	sshll.u32 s18, $0xA;
	s20 =	sand.u32 $0x60, s20;
	[tilespmem:v4+s15+$0x0] =	vst.idx.msk $0xffff, v62  }
0x93: {  	v63 =	vadd.s32 $0x40, v0;
	s21 =	sand.u32 $0xFE000, s21;
	s20 =	sadd.s32 s2, s20;
	[tilespmem:v2+s15+$0x0] =	vst.idx.msk $0xffff, v0  }
0x94: {  	s20 =	sadd.s32 s21, s20;
	[tilespmem:v1+s15+$0x0] =	vst.idx.msk $0xffff, v63  }
0x95: {  	[hbm4b:s20+s11] =	stream.strided.scatter [tilespmem:s15], [sflag:$0x1], $0x2000, s12, s11, $0x38;
	[tilespmem:$0x7000] =	vst v63  }
.LBB2_6:
0x96: {  	s19 =	sshll.u32 s17, $0x7;
	s20 =	sshll.u32 s17, $0x8  }
0x97: {  	s20 =	sand.u32 $0x1800, s20;
	s21 =	sand.u32 $0x380, s19  }
0x98: {  	p0 =	slt.u32 s17, $0x2;
	s20 =	sor.u32 s21, s20  }
0x99: {  	v1 =	vmov s20;
	s20 =	simm.s32 @!p0 $0x2  }
0x9a: {  	_ =	swait.ge @!p0 [sflag:s20], $0x2000  }
0x9b: {  	[sflag:s20] =	ssyncset.done @!p0 $0x0  }
0x9c: {  	s26 =	simm.s32 $0x0;
	s19 =	sand.u32 $0x3FFFFF80, s19;
	[sflag:s20] =	ssyncadd.s32 @!p0 $0xFFFFE000  }
0x9d: {  	s28 =	sand.u32 $0x400, s26;
	v2 =	vld [tilespmem:s19+$0x2000]  }
0x9e: {  	v3 =	vld.idx.msk [tilespmem:v1+s28+$0x30 ss:$0x1], $0xffff  }
0x9f: {  	v4 =	vld.idx.msk [tilespmem:v1+s28+$0x40 ss:$0x1], $0xffff  }
0xa0: {  	v5 =	vld.idx.msk [tilespmem:v1+s28+$0x50 ss:$0x1], $0xffff  }
0xa1: {  	v6 =	vld.idx.msk [tilespmem:v1+s28+$0x60 ss:$0x1], $0xffff  }
0xa2: {  	v7 =	vld.idx.msk [tilespmem:v1+s28+$0x70 ss:$0x1], $0xffff  }
0xa3: {  	v8 =	vld.idx.msk [tilespmem:v1+s28+$0x20 ss:$0x1], $0xffff  }
0xa4: {  	v9 =	vld.idx.msk [tilespmem:v1+s28+$0x10 ss:$0x1], $0xffff  }
0xa5: {  	v10 =	vld.idx.msk [tilespmem:v1+s28+$0x0 ss:$0x1], $0xffff  }
0xa6: {  	v0 =	vlaneseq.u32;
	s29 =	simm.s32 $0x0  }
0xa7: {  	v12 =	vimm.s32 $0xFFFFFFFF;
	v11 =	vadd.s32 v0, v2;
	v2 =	vshrl.u32 v3, s29  }
0xa8: {  	v3 =	vshrl.u32 v4, s29;
	v4 =	vshrl.u32 v5, s29;
	v5 =	vshrl.u32 v6, s29  }
0xa9: {  	v6 =	vshrl.u32 v9, s29;
	v8 =	vshrl.u32 v8, s29;
	v7 =	vshrl.u32 v7, s29  }
0xaa: {  	v9 =	vshrl.u32 v10, s29;
	v2 =	vand.u32 $0x1, v2;
	v3 =	vand.u32 $0x1, v3  }
0xab: {  	v4 =	vand.u32 $0x1, v4;
	v5 =	vand.u32 $0x1, v5;
	v7 =	vand.u32 $0x1, v7  }
0xac: {  	v9 =	vand.u32 $0x1, v9;
	v6 =	vand.u32 $0x1, v6;
	v8 =	vand.u32 $0x1, v8;
	(xrf0) =	vadd.scan.msk.s32 $0xffff, v2  }
0xad: {  	vm0 =	veq.s32 v9, $0x1;
	vm1 =	veq.s32 v5, $0x1;
	vm2 =	veq.s32 v7, $0x1;
	(xrf0) =	vadd.scan.msk.s32 $0xffff, v3  }
0xae: {  	vm4 =	veq.s32 v6, $0x1;
	vm6 =	veq.s32 v8, $0x1;
	vm3 =	veq.s32 v3, $0x1;
	(xrf0) =	vadd.scan.msk.s32 $0xffff, v6  }
0xaf: {  	vm7 =	veq.s32 v2, $0x1;
	v10 =	vmpcnt.ones.xlane vm0;
	v3 =	vmpcnt.ones.xlane vm6;
	(xrf0) =	vadd.scan.msk.s32 $0xffff, v8  }
0xb0: {  	vm5 =	veq.s32 v4, $0x1;
	v2 =	vmpcnt.ones.xlane vm7;
	v6 =	vmpcnt.ones.xlane vm4;
	(xrf0) =	vadd.scan.msk.s32 $0xffff, v4  }
0xb1: {  	v13 =	vmpcnt.ones.xlane vm3;
	v4 =	vsub.s32 v11, v10;
	(xrf0) =	vadd.scan.msk.s32 $0xffff, v5;
	v5 =	vadd.s32 v12, v10  }
0xb2: {  	v19 =	vmpcnt.ones.xlane vm1;
	v8 =	vsub.s32 v4, v6;
	v6 =	vadd.s32 v5, v6  }
0xb3: {  	v22 =	vmpcnt.ones.xlane vm2;
	v10, _, _ =	vpop (xrf0);
	(xrf0) =	vadd.scan.msk.s32 $0xffff, v7;
	v7 =	vsub.s32 v8, v3;
	v15 =	vadd.s32 v6, v3  }
0xb4: {  	v14, _, _ =	vpop (xrf0);
	v16 =	vsub.s32 v7, v2;
	v3 =	vmpcnt.ones.xlane vm5;
	v7 =	vsub.s32 v7, v10  }
0xb5: {  	v18 =	vadd.s32 v15, v2;
	v2 =	vsub.s32 v16, v13;
	v16 =	vsub.s32 v16, v14  }
0xb6: {  	v17, _, _ =	vpop (xrf0);
	v7 =	vadd.s32 $0x30, v7;
	v10 =	vadd.s32 v15, v10;
	v13 =	vadd.s32 v18, v13  }
0xb7: {  	s30 =	simm.s32 $0x400;
	v21 =	vsub.s32 v2, v3;
	v4 =	vsub.s32 v4, v17;
	v16 =	vadd.s32 $0x40, v16  }
0xb8: {  	s19 =	sand.u32 $0x400, s30;
	v20, _, _ =	vpop (xrf0);
	v5 =	vadd.s32 v5, v17;
	v14 =	vadd.s32 v18, v14;
	v7 =	vsel vm7, v10, v7  }
0xb9: {  	v28 =	vld.idx.msk [tilespmem:v1+s19+$0x50 ss:$0x1], $0xffff;
	v23, _, _ =	vpop (xrf0);
	v24 =	vadd.s32 v13, v3;
	v8 =	vsub.s32 v8, v20;
	v4 =	vadd.s32 $0x10, v4  }
0xba: {  	(xrf0) =	vadd.scan.msk.s32 $0xffff, v9;
	v6 =	vadd.s32 v6, v20;
	v9 =	vsub.s32 v2, v23;
	v2 =	vsub.s32 v21, v19  }
0xbb: {  	v17 =	vld.idx.msk [tilespmem:v1+s19+$0x70 ss:$0x1], $0xffff;
	v25, _, _ =	vpop (xrf0);
	v19 =	vadd.s32 v24, v19;
	v8 =	vadd.s32 $0x20, v8;
	v13 =	vadd.s32 v13, v23  }
0xbc: {  	v18 =	vld.idx.msk [tilespmem:v1+s19+$0x20 ss:$0x1], $0xffff;
	v4 =	vsel vm4, v5, v4;
	v21 =	vsub.s32 v21, v25;
	v3 =	vsub.s32 v2, v22  }
0xbd: {  	v23 =	vld.idx.msk [tilespmem:v1+s19+$0x60 ss:$0x1], $0xffff;
	v26, _, _ =	vpop (xrf0);
	v9 =	vadd.s32 $0x50, v9;
	v24 =	vadd.s32 v24, v25;
	v6 =	vsel vm6, v6, v8  }
0xbe: {  	v8 =	vld.idx.msk [tilespmem:v1+s19+$0x0 ss:$0x1], $0xffff;
	v27 =	vsub.s32 v2, v26;
	v21 =	vadd.s32 $0x60, v21;
	v5 =	vsel vm5, v13, v9  }
0xbf: {  	v2 =	vadd.s32 v19, v22;
	v19 =	vadd.s32 v19, v26;
	v26 =	vld.idx.msk [tilespmem:v1+s19+$0x40 ss:$0x1], $0xffff;
	v9 =	vsel vm1, v24, v21  }
0xc0: {  	v10 =	vsel vm3, v14, v16;
	v14 =	vadd.s32 $0x20, v0;
	v13 =	vld.idx.msk [tilespmem:v1+s19+$0x10 ss:$0x1], $0xffff;
	v22 =	vadd.s32 $0x70, v27  }
0xc1: {  	s31 =	simm.s32 $0x0;
	v16 =	vadd.s32 $0x60, v0;
	v20 =	vadd.s32 $0x50, v0;
	v27 =	vld.idx.msk [tilespmem:v1+s19+$0x30 ss:$0x1], $0xffff;
	v15 =	vsel vm2, v19, v22  }
0xc2: {  	v3 =	vadd.s32 $0x80, v3;
	v17 =	vshrl.u32 v17, s31;
	v19 =	vadd.s32 $0x30, v0;
	v25, _, _ =	vpop (xrf0)  }
0xc3: {  	v21 =	vshrl.u32 v23, s31;
	v12 =	vadd.s32 v12, v25;
	v11 =	vsub.s32 v11, v25;
	[tilespmem:v5+s10+$0x0] =	vst.idx.msk $0xffff, v20  }
0xc4: {  	v24 =	vsel vm0, v12, v11;
	v11 =	vadd.s32 $0x10, v0;
	v12 =	vadd.s32 $0x70, v0;
	[tilespmem:v9+s10+$0x0] =	vst.idx.msk $0xffff, v16  }
0xc5: {  	v5 =	vshrl.u32 v13, s31;
	v13 =	vshrl.u32 v18, s31;
	v9 =	vshrl.u32 v26, s31;
	[tilespmem:v4+s10+$0x0] =	vst.idx.msk $0xffff, v11  }
0xc6: {  	v16 =	vshrl.u32 v28, s31;
	v4 =	vshrl.u32 v8, s31;
	[tilespmem:v15+s10+$0x0] =	vst.idx.msk $0xffff, v12;
	v12 =	vshrl.u32 v27, s31  }
0xc7: {  	[tilespmem:v7+s10+$0x0] =	vst.idx.msk $0xffff, v19;
	v15 =	vadd.s32 $0x40, v0;
	v9 =	vand.u32 $0x1, v9;
	v11 =	vand.u32 $0x1, v16  }
0xc8: {  	[tilespmem:v6+s10+$0x0] =	vst.idx.msk $0xffff, v14;
	v16 =	vand.u32 $0x1, v17;
	v17 =	vand.u32 $0x1, v4;
	v8 =	vand.u32 $0x1, v12  }
0xc9: {  	v4 =	vand.u32 $0x1, v5;
	v5 =	vand.u32 $0x1, v13;
	v12 =	vand.u32 $0x1, v21;
	(xrf0) =	vadd.scan.msk.s32 $0xffff, v8  }
0xca: {  	vm0 =	veq.s32 v17, $0x1;
	vm6 =	veq.s32 v16, $0x1;
	vm3 =	veq.s32 v4, $0x1;
	(xrf0) =	vadd.scan.msk.s32 $0xffff, v9  }
0xcb: {  	vm5 =	veq.s32 v11, $0x1;
	vm4 =	veq.s32 v5, $0x1;
	v13 =	vmpcnt.ones.xlane vm0;
	(xrf0) =	vadd.scan.msk.s32 $0xffff, v4  }
0xcc: {  	vm2 =	veq.s32 v9, $0x1;
	vm1 =	veq.s32 v12, $0x1;
	v18 =	vmpcnt.ones.xlane vm3;
	(xrf0) =	vadd.scan.msk.s32 $0xffff, v5  }
0xcd: {  	vm7 =	veq.s32 v8, $0x1;
	v9 =	vmpcnt.ones.xlane vm4;
	v25 =	vsub.s32 v3, v13;
	(xrf0) =	vadd.scan.msk.s32 $0xffff, v11  }
0xce: {  	v5 =	vadd.s32 v2, v13;
	v26 =	vsub.s32 v25, v18;
	v11 =	vmpcnt.ones.xlane vm7;
	(xrf0) =	vadd.scan.msk.s32 $0xffff, v12  }
0xcf: {  	v14 =	vmpcnt.ones.xlane vm2;
	v8 =	vadd.s32 v5, v18;
	v28 =	vsub.s32 v26, v9;
	v4, _, _ =	vpop (xrf0);
	(xrf0) =	vadd.scan.msk.s32 $0xffff, v16  }
0xd0: {  	v9 =	vadd.s32 v8, v9;
	v16 =	vsub.s32 v28, v11;
	v6, _, _ =	vpop (xrf0);
	(xrf0) =	vadd.scan.msk.s32 $0xffff, v17;
	v17 =	vmpcnt.ones.xlane vm5  }
0xd1: {  	[tilespmem:v10+s10+$0x0] =	vst.idx.msk $0xffff, v15;
	v29 =	vmpcnt.ones.xlane vm6;
	v11 =	vadd.s32 v9, v11;
	v7 =	vsub.s32 v16, v14;
	v12, _, _ =	vpop (xrf0)  }
0xd2: {  	v21 =	vmpcnt.ones.xlane vm1;
	[tilespmem:v24+s10+$0x0] =	vst.idx.msk $0xffff, v0;
	v14 =	vadd.s32 v11, v14;
	v13, _, _ =	vpop (xrf0);
	v10 =	vsub.s32 v7, v17  }
0xd3: {  	v19 =	vadd.s32 v14, v17;
	v24 =	vsub.s32 v25, v12;
	v15, _, _ =	vpop (xrf0);
	v25 =	vsub.s32 v26, v13  }
0xd4: {  	v26 =	vsub.s32 v28, v4;
	v18 =	vsub.s32 v7, v15;
	v7 =	vsub.s32 v10, v21;
	v20, _, _ =	vpop (xrf0)  }
0xd5: {  	v21 =	vadd.s32 v19, v21;
	v23 =	vsub.s32 v10, v20;
	v10 =	vsub.s32 v7, v29;
	v22, _, _ =	vpop (xrf0)  }
0xd6: {  	s20 =	simm.s32 $0x800;
	s19 =	simm.s32 $0x8;
	v27 =	vsub.s32 v7, v22;
	v7 =	vadd.s32 v21, v29;
	v10 =	vadd.s32 $0x80, v10;
	v17, _, _ =	vpop (xrf0)  }
.LBB2_7:
0xd7: {  	s21 =	sand.u32 $0x400, s20;
	v16 =	vsub.s32 v16, v6;
	v23 =	vadd.s32 $0x60, v23;
	v27 =	vadd.s32 $0x70, v27  }
0xd8: {  	v18 =	vadd.s32 $0x50, v18;
	v19 =	vadd.s32 v19, v20;
	v20 =	vadd.s32 v21, v22;
	v28 =	vld.idx.msk [tilespmem:v1+s21+$0x30 ss:$0x1], $0xffff  }
0xd9: {  	v22 =	vadd.s32 $0x10, v24;
	v24 =	vadd.s32 $0x20, v25;
	v25 =	vadd.s32 $0x30, v26;
	v21 =	vld.idx.msk [tilespmem:v1+s21+$0x40 ss:$0x1], $0xffff  }
0xda: {  	v29 =	vadd.s32 v2, v17;
	v14 =	vadd.s32 v14, v15;
	v2 =	vmovc v7;
	v16 =	vadd.s32 $0x40, v16;
	v26 =	vld.idx.msk [tilespmem:v1+s21+$0x50 ss:$0x1], $0xffff  }
0xdb: {  	v3 =	vsub.s32 v3, v17;
	v5 =	vadd.s32 v5, v12;
	v8 =	vadd.s32 v8, v13;
	v15 =	vld.idx.msk [tilespmem:v1+s21+$0x60 ss:$0x1], $0xffff  }
0xdc: {  	v4 =	vadd.s32 v9, v4;
	v6 =	vadd.s32 v11, v6;
	v9 =	vsel vm6, v20, v27;
	v12 =	vld.idx.msk [tilespmem:v1+s21+$0x70 ss:$0x1], $0xffff  }
0xdd: {  	v5 =	vsel vm3, v5, v22;
	v13 =	vsel vm5, v14, v18;
	v14 =	vsel vm1, v19, v23;
	v11 =	vld.idx.msk [tilespmem:v1+s21+$0x20 ss:$0x1], $0xffff  }
0xde: {  	v8 =	vsel vm4, v8, v24;
	v18 =	vsel vm7, v4, v25;
	v19 =	vsel vm2, v6, v16;
	v17 =	vld.idx.msk [tilespmem:v1+s21+$0x10 ss:$0x1], $0xffff  }
0xdf: {  	v0 =	vadd.s32 $0x80, v0;
	v20 =	vsel vm0, v29, v3;
	v3 =	vmov v10;
	v4 =	vld.idx.msk [tilespmem:v1+s21+$0x0 ss:$0x1], $0xffff  }
0xe0: {  	s19 =	sadd.s32 $0x8, s19;
	v6 =	vadd.s32 $0x10, v0;
	v16 =	vadd.s32 $0x70, v0  }
0xe1: {  	p0 =	slt.u32 s19, $0x1F8;
	v22 =	vadd.s32 $0x20, v0;
	v23 =	vadd.s32 $0x30, v0;
	v24 =	vadd.s32 $0x60, v0;
	s21 =	sshrl.u32 s19, $0x4;
	[tilespmem:v9+s10+$0x0] =	vst.idx.msk $0xffff, v16  }
0xe2: {  	v25 =	vadd.s32 $0x40, v0;
	v9 =	vshrl.u32 v28, s21;
	v16 =	vadd.s32 $0x50, v0;
	[tilespmem:v14+s10+$0x0] =	vst.idx.msk $0xffff, v24  }
0xe3: {  	v15 =	vshrl.u32 v15, s21;
	v14 =	vshrl.u32 v21, s21;
	v21 =	vshrl.u32 v26, s21;
	[tilespmem:v13+s10+$0x0] =	vst.idx.msk $0xffff, v16  }
0xe4: {  	v12 =	vshrl.u32 v12, s21;
	v11 =	vshrl.u32 v11, s21;
	v13 =	vshrl.u32 v17, s21;
	[tilespmem:v5+s10+$0x0] =	vst.idx.msk $0xffff, v6  }
0xe5: {  	v4 =	vshrl.u32 v4, s21;
	v5 =	vand.u32 $0x1, v9;
	v6 =	vand.u32 $0x1, v14;
	[tilespmem:v8+s10+$0x0] =	vst.idx.msk $0xffff, v22  }
0xe6: {  	v12 =	vand.u32 $0x1, v12;
	v9 =	vand.u32 $0x1, v15;
	v8 =	vand.u32 $0x1, v21;
	(xrf0) =	vadd.scan.msk.s32 $0xffff, v5  }
0xe7: {  	v11 =	vand.u32 $0x1, v11;
	v14 =	vand.u32 $0x1, v4;
	v4 =	vand.u32 $0x1, v13;
	(xrf0) =	vadd.scan.msk.s32 $0xffff, v6  }
0xe8: {  	vm6 =	veq.s32 v12, $0x1;
	vm1 =	veq.s32 v9, $0x1;
	vm0 =	veq.s32 v14, $0x1;
	(xrf0) =	vadd.scan.msk.s32 $0xffff, v4  }
0xe9: {  	vm3 =	veq.s32 v4, $0x1;
	vm5 =	veq.s32 v8, $0x1;
	v13 =	vmpcnt.ones.xlane vm0;
	(xrf0) =	vadd.scan.msk.s32 $0xffff, v11  }
0xea: {  	vm4 =	veq.s32 v11, $0x1;
	vm2 =	veq.s32 v6, $0x1;
	v15 =	vmpcnt.ones.xlane vm3;
	(xrf0) =	vadd.scan.msk.s32 $0xffff, v8  }
0xeb: {  	vm7 =	veq.s32 v5, $0x1;
	v24 =	vsub.s32 v10, v13;
	v10 =	vmpcnt.ones.xlane vm4;
	(xrf0) =	vadd.scan.msk.s32 $0xffff, v9  }
0xec: {  	v5 =	vadd.s32 v7, v13;
	v7 =	vmpcnt.ones.xlane vm7;
	v26 =	vsub.s32 v24, v15;
	v4, _, _ =	vpop (xrf0);
	(xrf0) =	vadd.scan.msk.s32 $0xffff, v12  }
0xed: {  	v22 =	vmpcnt.ones.xlane vm2;
	v8 =	vadd.s32 v5, v15;
	v28 =	vsub.s32 v26, v10;
	(xrf0) =	vadd.scan.msk.s32 $0xffff, v14;
	v6, _, _ =	vpop (xrf0)  }
0xee: {  	v9 =	vadd.s32 v8, v10;
	v10 =	vmpcnt.ones.xlane vm5;
	v16 =	vsub.s32 v28, v7;
	v12, _, _ =	vpop (xrf0);
	[tilespmem:v18+s10+$0x0] =	vst.idx.msk $0xffff, v23  }
0xef: {  	v17 =	vmpcnt.ones.xlane vm1;
	v11 =	vadd.s32 v9, v7;
	v7 =	vsub.s32 v16, v22;
	v13, _, _ =	vpop (xrf0);
	[tilespmem:v19+s10+$0x0] =	vst.idx.msk $0xffff, v25  }
.Ltmp7:
0xf0: {  	v14 =	vadd.s32 v11, v22;
	v21 =	vsub.s32 v7, v10;
	v25 =	vmpcnt.ones.xlane vm6;
	v15, _, _ =	vpop (xrf0);
	[tilespmem:v20+s10+$0x0] =	vst.idx.msk $0xffff, v0;
	(pc) =	sbr.rel @p0 .LBB2_7-.Ltmp7, $4  }
0xf1: {  	v19 =	vadd.s32 v14, v10;
	v18 =	vsub.s32 v7, v15;
	v7 =	vsub.s32 v21, v17;
	v20, _, _ =	vpop (xrf0)  }
0xf2: {  	v23 =	vsub.s32 v21, v20;
	v21 =	vadd.s32 v19, v17;
	v10 =	vsub.s32 v7, v25;
	v22, _, _ =	vpop (xrf0)  }
0xf3: {  	v27 =	vsub.s32 v7, v22;
	v7 =	vadd.s32 v21, v25;
	v10 =	vadd.s32 $0x80, v10;
	v17, _, _ =	vpop (xrf0)  }
0xf4: {  	s20 =	sadd.s32 $0x400, s20;
	v24 =	vsub.s32 v24, v12;
	v25 =	vsub.s32 v26, v13;
	v26 =	vsub.s32 v28, v4  }
0xf5: {  	v1 =	vsub.s32 v16, v6  }
0xf6: {  	v7 =	vadd.s32 $0x60, v23;
	v10 =	vadd.s32 $0x70, v27;
	v49 =	vadd.s32 $0x50, v18  }
0xf7: {  	v50 =	vadd.s32 v19, v20;
	v51 =	vadd.s32 v21, v22;
	v52 =	vadd.s32 $0x10, v24  }
0xf8: {  	v53 =	vadd.s32 $0x20, v25;
	v54 =	vadd.s32 $0x30, v26;
	v10 =	vsel vm6, v51, v10  }
0xf9: {  	v2 =	vadd.s32 v2, v17;
	v14 =	vadd.s32 v14, v15;
	v7 =	vsel vm1, v50, v7  }
0xfa: {  	v5 =	vadd.s32 v5, v12;
	v8 =	vadd.s32 v8, v13;
	v55 =	vsel vm5, v14, v49  }
0xfb: {  	v0 =	vadd.s32 $0x80, v0;
	v4 =	vadd.s32 v9, v4;
	v5 =	vsel vm3, v5, v52  }
0xfc: {  	v57 =	vadd.s32 v11, v6;
	v8 =	vsel vm4, v8, v53;
	v56 =	vadd.s32 $0x70, v0  }
0xfd: {  	v3 =	vsub.s32 v3, v17;
	v4 =	vsel vm7, v4, v54;
	v58 =	vadd.s32 $0x60, v0;
	[tilespmem:v10+s10+$0x0] =	vst.idx.msk $0xffff, v56  }
0xfe: {  	v1 =	vadd.s32 $0x40, v1;
	v59 =	vadd.s32 $0x50, v0;
	v2 =	vsel vm0, v2, v3;
	[tilespmem:v7+s10+$0x0] =	vst.idx.msk $0xffff, v58  }
0xff: {  	v60 =	vadd.s32 $0x10, v0;
	v1 =	vsel vm2, v57, v1;
	[tilespmem:v55+s10+$0x0] =	vst.idx.msk $0xffff, v59  }
0x100: {  	v61 =	vadd.s32 $0x20, v0;
	[tilespmem:v5+s10+$0x0] =	vst.idx.msk $0xffff, v60  }
.Ltmp8:
0x101: {  	s19 =	sshll.u32 s17, $0x4;
	v62 =	vadd.s32 $0x30, v0;
	[tilespmem:v8+s10+$0x0] =	vst.idx.msk $0xffff, v61;
	(pc) =	sbr.rel .LBB2_9-.Ltmp8, $4  }
0x102: {  	s18 =	sshll.u32 s18, $0xA;
	s19 =	sand.u32 $0x70, s19;
	[tilespmem:v4+s10+$0x0] =	vst.idx.msk $0xffff, v62  }
0x103: {  	v63 =	vadd.s32 $0x40, v0;
	s18 =	sand.u32 $0xFE000, s18;
	s19 =	sadd.s32 s2, s19;
	[tilespmem:v2+s10+$0x0] =	vst.idx.msk $0xffff, v0  }
0x104: {  	s18 =	sadd.s32 s18, s19;
	[tilespmem:v1+s10+$0x0] =	vst.idx.msk $0xffff, v63  }
0x105: {  	[hbm4b:s18+s11] =	stream.strided.scatter [tilespmem:s10], [sflag:$0x2], $0x2000, s12, s11, $0x38;
	[tilespmem:$0x7000] =	vst v63  }
.LBB2_11:
0x106: {  	_ =	sfence.sel $0x180000  }
0x107: {  	[bflag:$0x0] =	sbarrier.arrive $0xFFFF  }
0x108: {  	p0 =	sne.s32 s1, $0x0;
	_ =	strace $0x90000047  }
0x109: {  	s0 =	sadd.s32 @!p0 $0x100000, s0;
	[bflag:$0x2] =	sbarrier.arrive $0xFFFF  }
0x10a: {  	[sflag:s0] =	ssyncadd.tile.s32 @!p0 $0x1;
	_ =	shalt  }
.Lfunc_end2:
_tile_overlayer_lowered:
.L_overlay_start_2:
0x10b: {  	(tag) =	ssettag $0x2  }
0x10c: {  	s0 =	rddreg [dreg:$0x0];
	s2 =	stileid.u32  }
0x10d: {  	s1 =	rddreg [dreg:$0x1];
	p0 =	sne.s32 s2, $0x0  }
0x10e: {  	s3 =	rddreg [dreg:$0x2];
	[bflag:$0x3] =	sbarrier.arrive $0xFFFF;
	s2 =	simm.s32 @!p0 $0x1C03  }
0x10f: {  	[timem:s3], [sflag:s2] =	dma.local @!p0 [hbm:s0], s1  }
0x110: {  	s0 =	simm.s32 @!p0 $0x3  }
0x111: {  	_ =	swait.ge @!p0 [sflag:s0], s1  }
0x112: {  	s1 =	ssub.s32 @!p0 $0x0, s1;
	[sflag:s0] =	ssyncset.done @!p0 $0x0  }
0x113: {  	[sflag:s0] =	ssyncadd.s32 @!p0 s1  }
0x114: {  	[bflag:$0x3] =	sbarrier.arrive $0xFFFF  }
0x115: {  	_ =	shalt  }

</sc_bundles>
